<compile_context>
chip_gen: v7x
topology: tpu7x:2x2x1
jax: 0.10.2.dev20260603
libtpu: 0.0.44.dev20260713+nightly
codegen_flags: <defaults>
</compile_context>

<pallas_src>
import functools

import jax
import jax.numpy as jnp
from jax import lax
from jax.experimental import pallas as pl
from jax.experimental.pallas import tpu as pltpu
from jax.experimental.pallas import tpu_sc as plsc

_EMBED_DIM = 16
_BATCH = 16384
_NUM_CORES = 2
_NUM_SUBCORES = 16
_NUM_WORKERS = _NUM_CORES * _NUM_SUBCORES
_ROWS_PER_WORKER = _BATCH // _NUM_WORKERS
_GROUP = 16
_NUM_GROUPS = _ROWS_PER_WORKER // _GROUP
_TILE_W = 128


def _build_gather():
  mesh = plsc.VectorSubcoreMesh(core_axis_name="c", subcore_axis_name="s")

  @functools.partial(
      pl.kernel,
      mesh=mesh,
      out_type=jax.ShapeDtypeStruct((_EMBED_DIM, _BATCH), jnp.float32),
      scratch_types=[
          pltpu.VMEM((_ROWS_PER_WORKER,), jnp.int32),
          pltpu.VMEM((2, _EMBED_DIM, _GROUP * _TILE_W), jnp.float32),
          pltpu.VMEM((_EMBED_DIM, _ROWS_PER_WORKER), jnp.float32),
          pltpu.SemaphoreType.DMA,
      ],
      compiler_params=pltpu.CompilerParams(needs_layout_passes=False),
  )
  def gather(idx_hbm, table_t_hbm, out_t_hbm, idx_v, bufs, rows_v, sem):
    wid = lax.axis_index("s") * _NUM_CORES + lax.axis_index("c")
    base = wid * _ROWS_PER_WORKER
    pltpu.sync_copy(idx_hbm.at[pl.ds(base, _ROWS_PER_WORKER)], idx_v)

    row_iota = lax.iota(jnp.int32, _EMBED_DIM)

    def issue_group(g):
      b = lax.rem(g, 2)
      xv = idx_v[pl.ds(g * _GROUP, _GROUP)]
      tile_off = (xv >> 7) << 7
      for k in range(_GROUP):
        off = pl.multiple_of(tile_off[k], _TILE_W)
        pltpu.async_copy(
            table_t_hbm.at[:, pl.ds(off, _TILE_W)],
            bufs.at[b, :, pl.ds(k * _TILE_W, _TILE_W)],
            sem,
        )

    def drain_extract_group(g):
      b = lax.rem(g, 2)
      xv = idx_v[pl.ds(g * _GROUP, _GROUP)]
      lane = xv & 127
      for k in range(_GROUP):
        pltpu.make_async_copy(
            table_t_hbm.at[:, pl.ds(0, _TILE_W)],
            bufs.at[b, :, pl.ds(k * _TILE_W, _TILE_W)],
            sem,
        ).wait()
      for k in range(_GROUP):
        col = jnp.full((_EMBED_DIM,), lane[k] + k * _TILE_W, jnp.int32)
        vals = plsc.load_gather(bufs.at[b], [row_iota, col])
        out_col = jnp.full((_EMBED_DIM,), g * _GROUP + k, jnp.int32)
        plsc.store_scatter(rows_v, [row_iota, out_col], vals)

    def step(g, _):
      @pl.when(g < _NUM_GROUPS)
      def _issue():
        issue_group(g)

      @pl.when(g > 0)
      def _drain():
        drain_extract_group(g - 1)

      return _

    lax.fori_loop(0, _NUM_GROUPS + 1, step, None)
    pltpu.sync_copy(rows_v, out_t_hbm.at[:, pl.ds(base, _ROWS_PER_WORKER)])

  return gather


_GATHER = _build_gather()


def kernel(x, table):
  out_t = _GATHER(x.astype(jnp.int32), table.T)
  return out_t.T

# --- scband reference (transcript-rebuilt; emitter-appended) ---
"""Pipeline reference for scband-food-type-embedding-27049704030237 (READ-ONLY COPY).

The authoritative reference and input builder live on the scoring server;
editing this copy changes nothing except your own understanding.
"""

import jax, jax.numpy as jnp
import numpy as np

NUM_FOOD_TYPES = 1000000
EMBED_DIM = 16
BATCH = 16384

def setup_inputs(seed: int = 0) -> dict:
    key = jax.random.key(seed)
    k_idx, k_tab = jax.random.split(key)
    x = jax.random.randint(k_idx, (BATCH,), 0, NUM_FOOD_TYPES, dtype=jnp.int64 if jax.config.jax_enable_x64 else jnp.int32)
    table = jax.random.normal(k_tab, (NUM_FOOD_TYPES, EMBED_DIM), dtype=jnp.float32)
    return {"x": x, "table": table}

def reference(x, table):
    # nn.Embedding forward: row gather from the embedding table
    return jnp.take(table, x, axis=0)

if __name__ == "__main__":
    import jax
    _d = setup_inputs()
    print(jax.jit(kernel)(*tuple(_d.values())))

</pallas_src>

<mosaic_0001>
#map = affine_map<(d0, d1) -> (0)>
#map1 = affine_map<(d0, d1) -> (0, 0)>
module attributes {stable_mosaic.version = 14 : i64} {
  func.func @gather(%arg0: i32, %arg1: i32, %arg2: memref<16384xi32, #tpu.memory_space<hbm>>, %arg3: memref<16x1000000xf32, #tpu.memory_space<hbm>>, %arg4: memref<16x16384xf32, #tpu.memory_space<hbm>>, %arg5: memref<512xi32, #tpu.memory_space<vmem>>, %arg6: memref<2x16x2048xf32, #tpu.memory_space<vmem>>, %arg7: memref<16x512xf32, #tpu.memory_space<vmem>>, %arg8: memref<!tpu.dma_semaphore, #tpu.memory_space<semaphore_mem>>) attributes {dimension_semantics = [#tpu.dimension_semantics<core_parallel>, #tpu.dimension_semantics<subcore_parallel>], iteration_bounds = array<i64: 2, 16>, scalar_prefetch = 0 : i64, scratch_operands = 4 : i64, tpu.core_type = #tpu.core_type<sc_vector_subcore>, window_params = [{transform_indices = #map}, {transform_indices = #map1}, {transform_indices = #map1}]} {
    %mul3A = arith.constant 2 : i32
    %mul3A_0 = arith.muli %arg1, %mul3A : i32
    %add3A = arith.addi %mul3A_0, %arg0 : i32
    %mul3A_1 = arith.constant 512 : i32
    %mul3A_2 = arith.muli %add3A, %mul3A_1 : i32
    "tpu.region"() ({
      %run_scoped3A = tpu.sem_alloc : memref<!tpu.dma_semaphore, #tpu.memory_space<semaphore_mem>>
      %dma_start3A = tpu.memref_slice %arg2[%mul3A_2] : memref<16384xi32, #tpu.memory_space<hbm>> -> memref<512xi32, #tpu.memory_space<hbm>>
      %dma_start3A_7 = tpu.memref_slice %arg2[%mul3A_2] : memref<16384xi32, #tpu.memory_space<hbm>> -> memref<512xi32, #tpu.memory_space<hbm>>
      tpu.enqueue_dma source(%dma_start3A_7 : memref<512xi32, #tpu.memory_space<hbm>>) target(%arg5 : memref<512xi32, #tpu.memory_space<vmem>>) target_semaphore(%run_scoped3A : memref<!tpu.dma_semaphore, #tpu.memory_space<semaphore_mem>>)
      %dma_wait3A = tpu.memref_slice %arg2[%mul3A_2] : memref<16384xi32, #tpu.memory_space<hbm>> -> memref<512xi32, #tpu.memory_space<hbm>>
      %dma_wait3A_8 = tpu.memref_slice %arg2[%mul3A_2] : memref<16384xi32, #tpu.memory_space<hbm>> -> memref<512xi32, #tpu.memory_space<hbm>>
      tpu.wait_dma2 semaphore(%run_scoped3A : memref<!tpu.dma_semaphore, #tpu.memory_space<semaphore_mem>>) src(%dma_wait3A_8 : memref<512xi32, #tpu.memory_space<hbm>>) dst(%arg5 : memref<512xi32, #tpu.memory_space<vmem>>)
      tpu.yield
    }) : () -> ()
    %iota3A = tpu.iota {dimensions = array<i32: 0>} : vector<16xi32>
    %scan3A = arith.constant 0 : i32
    %scan3A_3 = arith.constant 33 : i32
    %scan3A_4 = arith.addi %scan3A, %scan3A_3 : i32
    %scan3A_5 = arith.constant 1 : i32
    scf.for %scan3A_7 = %scan3A to %scan3A_4 step %scan3A_5  : i32 {
      %lt3A = arith.constant 32 : i32
      %lt3A_8 = arith.cmpi slt, %scan3A_7, %lt3A : i32
      %convert_element_type3A = arith.extui %lt3A_8 : i1 to i32
      %cond3A = arith.constant 0 : i32
      %cond3A_9 = arith.cmpi ne, %convert_element_type3A, %cond3A : i32
      scf.if %cond3A_9 {
        %rem3A = arith.constant 2 : i32
        %rem3A_14 = arith.remsi %scan3A_7, %rem3A : i32
        %mul3A_15 = arith.constant 16 : i32
        %mul3A_16 = arith.muli %scan3A_7, %mul3A_15 : i32
        %get3A = arith.index_cast %mul3A_16 : i32 to index
        %get3A_17 = tpu.vector_load %arg5[%get3A] {strides = array<i32>} : memref<512xi32, #tpu.memory_space<vmem>>, vector<16xi32>,
        %shift_right_arithmetic3A = arith.constant 7 : i32
        %shift_right_arithmetic3A_18 = vector.broadcast %shift_right_arithmetic3A : i32 to vector<16xi32>
        %shift_right_arithmetic3A_19 = arith.shrsi %get3A_17, %shift_right_arithmetic3A_18 : vector<16xi32>
        %shift_left3A = arith.constant 7 : i32
        %shift_left3A_20 = vector.broadcast %shift_left3A : i32 to vector<16xi32>
        %shift_left3A_21 = arith.shli %shift_right_arithmetic3A_19, %shift_left3A_20 : vector<16xi32>
        %slice3A = vector.extract_strided_slice %shift_left3A_21 {offsets = [0], sizes = [1], strides = [1]} : vector<16xi32> to vector<1xi32>
        %squeeze3A = vector.extract %slice3A[0] : i32 from vector<1xi32>
        %multiple_of3A = tpu.assume_multiple %squeeze3A, 128 : i32
        %dma_start3A = arith.constant 0 : i32
        %dma_start3A_22 = arith.constant 0 : i32
        %dma_start3A_23 = tpu.memref_slice %arg6[%rem3A_14, %dma_start3A, %dma_start3A_22] : memref<2x16x2048xf32, #tpu.memory_space<vmem>> -> memref<1x16x128xf32, #tpu.memory_space<vmem>>
        %dma_start3A_24 = tpu.memref_squeeze %dma_start3A_23 : memref<1x16x128xf32, #tpu.memory_space<vmem>> -> memref<16x128xf32, #tpu.memory_space<vmem>>
        %dma_start3A_25 = arith.constant 0 : i32
        %dma_start3A_26 = tpu.memref_slice %arg3[%dma_start3A_25, %multiple_of3A] : memref<16x1000000xf32, #tpu.memory_space<hbm>> -> memref<16x128xf32, #tpu.memory_space<hbm>>
        %dma_start3A_27 = arith.constant 0 : i32
        %dma_start3A_28 = arith.constant 0 : i32
        %dma_start3A_29 = tpu.memref_slice %arg6[%rem3A_14, %dma_start3A_27, %dma_start3A_28] : memref<2x16x2048xf32, #tpu.memory_space<vmem>> -> memref<1x16x128xf32, #tpu.memory_space<vmem>>
        %dma_start3A_30 = tpu.memref_squeeze %dma_start3A_29 : memref<1x16x128xf32, #tpu.memory_space<vmem>> -> memref<16x128xf32, #tpu.memory_space<vmem>>
        %dma_start3A_31 = arith.constant 0 : i32
        %dma_start3A_32 = tpu.memref_slice %arg3[%dma_start3A_31, %multiple_of3A] : memref<16x1000000xf32, #tpu.memory_space<hbm>> -> memref<16x128xf32, #tpu.memory_space<hbm>>
        tpu.enqueue_dma source(%dma_start3A_32 : memref<16x128xf32, #tpu.memory_space<hbm>>) target(%dma_start3A_30 : memref<16x128xf32, #tpu.memory_space<vmem>>) target_semaphore(%arg8 : memref<!tpu.dma_semaphore, #tpu.memory_space<semaphore_mem>>)
        %slice3A_33 = vector.extract_strided_slice %shift_left3A_21 {offsets = [1], sizes = [1], strides = [1]} : vector<16xi32> to vector<1xi32>
        %squeeze3A_34 = vector.extract %slice3A_33[0] : i32 from vector<1xi32>
        %multiple_of3A_35 = tpu.assume_multiple %squeeze3A_34, 128 : i32
        %dma_start3A_36 = arith.constant 0 : i32
        %dma_start3A_37 = arith.constant 128 : i32
        %dma_start3A_38 = tpu.memref_slice %arg6[%rem3A_14, %dma_start3A_36, %dma_start3A_37] : memref<2x16x2048xf32, #tpu.memory_space<vmem>> -> memref<1x16x128xf32, #tpu.memory_space<vmem>>
        %dma_start3A_39 = tpu.memref_squeeze %dma_start3A_38 : memref<1x16x128xf32, #tpu.memory_space<vmem>> -> memref<16x128xf32, #tpu.memory_space<vmem>>
        %dma_start3A_40 = arith.constant 0 : i32
        %dma_start3A_41 = tpu.memref_slice %arg3[%dma_start3A_40, %multiple_of3A_35] : memref<16x1000000xf32, #tpu.memory_space<hbm>> -> memref<16x128xf32, #tpu.memory_space<hbm>>
        %dma_start3A_42 = arith.constant 0 : i32
        %dma_start3A_43 = arith.constant 128 : i32
        %dma_start3A_44 = tpu.memref_slice %arg6[%rem3A_14, %dma_start3A_42, %dma_start3A_43] : memref<2x16x2048xf32, #tpu.memory_space<vmem>> -> memref<1x16x128xf32, #tpu.memory_space<vmem>>
        %dma_start3A_45 = tpu.memref_squeeze %dma_start3A_44 : memref<1x16x128xf32, #tpu.memory_space<vmem>> -> memref<16x128xf32, #tpu.memory_space<vmem>>
        %dma_start3A_46 = arith.constant 0 : i32
        %dma_start3A_47 = tpu.memref_slice %arg3[%dma_start3A_46, %multiple_of3A_35] : memref<16x1000000xf32, #tpu.memory_space<hbm>> -> memref<16x128xf32, #tpu.memory_space<hbm>>
        tpu.enqueue_dma source(%dma_start3A_47 : memref<16x128xf32, #tpu.memory_space<hbm>>) target(%dma_start3A_45 : memref<16x128xf32, #tpu.memory_space<vmem>>) target_semaphore(%arg8 : memref<!tpu.dma_semaphore, #tpu.memory_space<semaphore_mem>>)
        %slice3A_48 = vector.extract_strided_slice %shift_left3A_21 {offsets = [2], sizes = [1], strides = [1]} : vector<16xi32> to vector<1xi32>
        %squeeze3A_49 = vector.extract %slice3A_48[0] : i32 from vector<1xi32>
        %multiple_of3A_50 = tpu.assume_multiple %squeeze3A_49, 128 : i32
        %dma_start3A_51 = arith.constant 0 : i32
        %dma_start3A_52 = arith.constant 256 : i32
        %dma_start3A_53 = tpu.memref_slice %arg6[%rem3A_14, %dma_start3A_51, %dma_start3A_52] : memref<2x16x2048xf32, #tpu.memory_space<vmem>> -> memref<1x16x128xf32, #tpu.memory_space<vmem>>
        %dma_start3A_54 = tpu.memref_squeeze %dma_start3A_53 : memref<1x16x128xf32, #tpu.memory_space<vmem>> -> memref<16x128xf32, #tpu.memory_space<vmem>>
        %dma_start3A_55 = arith.constant 0 : i32
        %dma_start3A_56 = tpu.memref_slice %arg3[%dma_start3A_55, %multiple_of3A_50] : memref<16x1000000xf32, #tpu.memory_space<hbm>> -> memref<16x128xf32, #tpu.memory_space<hbm>>
        %dma_start3A_57 = arith.constant 0 : i32
        %dma_start3A_58 = arith.constant 256 : i32
        %dma_start3A_59 = tpu.memref_slice %arg6[%rem3A_14, %dma_start3A_57, %dma_start3A_58] : memref<2x16x2048xf32, #tpu.memory_space<vmem>> -> memref<1x16x128xf32, #tpu.memory_space<vmem>>
        %dma_start3A_60 = tpu.memref_squeeze %dma_start3A_59 : memref<1x16x128xf32, #tpu.memory_space<vmem>> -> memref<16x128xf32, #tpu.memory_space<vmem>>
        %dma_start3A_61 = arith.constant 0 : i32
        %dma_start3A_62 = tpu.memref_slice %arg3[%dma_start3A_61, %multiple_of3A_50] : memref<16x1000000xf32, #tpu.memory_space<hbm>> -> memref<16x128xf32, #tpu.memory_space<hbm>>
        tpu.enqueue_dma source(%dma_start3A_62 : memref<16x128xf32, #tpu.memory_space<hbm>>) target(%dma_start3A_60 : memref<16x128xf32, #tpu.memory_space<vmem>>) target_semaphore(%arg8 : memref<!tpu.dma_semaphore, #tpu.memory_space<semaphore_mem>>)
        %slice3A_63 = vector.extract_strided_slice %shift_left3A_21 {offsets = [3], sizes = [1], strides = [1]} : vector<16xi32> to vector<1xi32>
        %squeeze3A_64 = vector.extract %slice3A_63[0] : i32 from vector<1xi32>
        %multiple_of3A_65 = tpu.assume_multiple %squeeze3A_64, 128 : i32
        %dma_start3A_66 = arith.constant 0 : i32
        %dma_start3A_67 = arith.constant 384 : i32
        %dma_start3A_68 = tpu.memref_slice %arg6[%rem3A_14, %dma_start3A_66, %dma_start3A_67] : memref<2x16x2048xf32, #tpu.memory_space<vmem>> -> memref<1x16x128xf32, #tpu.memory_space<vmem>>
        %dma_start3A_69 = tpu.memref_squeeze %dma_start3A_68 : memref<1x16x128xf32, #tpu.memory_space<vmem>> -> memref<16x128xf32, #tpu.memory_space<vmem>>
        %dma_start3A_70 = arith.constant 0 : i32
        %dma_start3A_71 = tpu.memref_slice %arg3[%dma_start3A_70, %multiple_of3A_65] : memref<16x1000000xf32, #tpu.memory_space<hbm>> -> memref<16x128xf32, #tpu.memory_space<hbm>>
        %dma_start3A_72 = arith.constant 0 : i32
        %dma_start3A_73 = arith.constant 384 : i32
        %dma_start3A_74 = tpu.memref_slice %arg6[%rem3A_14, %dma_start3A_72, %dma_start3A_73] : memref<2x16x2048xf32, #tpu.memory_space<vmem>> -> memref<1x16x128xf32, #tpu.memory_space<vmem>>
        %dma_start3A_75 = tpu.memref_squeeze %dma_start3A_74 : memref<1x16x128xf32, #tpu.memory_space<vmem>> -> memref<16x128xf32, #tpu.memory_space<vmem>>
        %dma_start3A_76 = arith.constant 0 : i32
        %dma_start3A_77 = tpu.memref_slice %arg3[%dma_start3A_76, %multiple_of3A_65] : memref<16x1000000xf32, #tpu.memory_space<hbm>> -> memref<16x128xf32, #tpu.memory_space<hbm>>
        tpu.enqueue_dma source(%dma_start3A_77 : memref<16x128xf32, #tpu.memory_space<hbm>>) target(%dma_start3A_75 : memref<16x128xf32, #tpu.memory_space<vmem>>) target_semaphore(%arg8 : memref<!tpu.dma_semaphore, #tpu.memory_space<semaphore_mem>>)
        %slice3A_78 = vector.extract_strided_slice %shift_left3A_21 {offsets = [4], sizes = [1], strides = [1]} : vector<16xi32> to vector<1xi32>
        %squeeze3A_79 = vector.extract %slice3A_78[0] : i32 from vector<1xi32>
        %multiple_of3A_80 = tpu.assume_multiple %squeeze3A_79, 128 : i32
        %dma_start3A_81 = arith.constant 0 : i32
        %dma_start3A_82 = arith.constant 512 : i32
        %dma_start3A_83 = tpu.memref_slice %arg6[%rem3A_14, %dma_start3A_81, %dma_start3A_82] : memref<2x16x2048xf32, #tpu.memory_space<vmem>> -> memref<1x16x128xf32, #tpu.memory_space<vmem>>
        %dma_start3A_84 = tpu.memref_squeeze %dma_start3A_83 : memref<1x16x128xf32, #tpu.memory_space<vmem>> -> memref<16x128xf32, #tpu.memory_space<vmem>>
        %dma_start3A_85 = arith.constant 0 : i32
        %dma_start3A_86 = tpu.memref_slice %arg3[%dma_start3A_85, %multiple_of3A_80] : memref<16x1000000xf32, #tpu.memory_space<hbm>> -> memref<16x128xf32, #tpu.memory_space<hbm>>
        %dma_start3A_87 = arith.constant 0 : i32
        %dma_start3A_88 = arith.constant 512 : i32
        %dma_start3A_89 = tpu.memref_slice %arg6[%rem3A_14, %dma_start3A_87, %dma_start3A_88] : memref<2x16x2048xf32, #tpu.memory_space<vmem>> -> memref<1x16x128xf32, #tpu.memory_space<vmem>>
        %dma_start3A_90 = tpu.memref_squeeze %dma_start3A_89 : memref<1x16x128xf32, #tpu.memory_space<vmem>> -> memref<16x128xf32, #tpu.memory_space<vmem>>
        %dma_start3A_91 = arith.constant 0 : i32
        %dma_start3A_92 = tpu.memref_slice %arg3[%dma_start3A_91, %multiple_of3A_80] : memref<16x1000000xf32, #tpu.memory_space<hbm>> -> memref<16x128xf32, #tpu.memory_space<hbm>>
        tpu.enqueue_dma source(%dma_start3A_92 : memref<16x128xf32, #tpu.memory_space<hbm>>) target(%dma_start3A_90 : memref<16x128xf32, #tpu.memory_space<vmem>>) target_semaphore(%arg8 : memref<!tpu.dma_semaphore, #tpu.memory_space<semaphore_mem>>)
        %slice3A_93 = vector.extract_strided_slice %shift_left3A_21 {offsets = [5], sizes = [1], strides = [1]} : vector<16xi32> to vector<1xi32>
        %squeeze3A_94 = vector.extract %slice3A_93[0] : i32 from vector<1xi32>
        %multiple_of3A_95 = tpu.assume_multiple %squeeze3A_94, 128 : i32
        %dma_start3A_96 = arith.constant 0 : i32
        %dma_start3A_97 = arith.constant 640 : i32
        %dma_start3A_98 = tpu.memref_slice %arg6[%rem3A_14, %dma_start3A_96, %dma_start3A_97] : memref<2x16x2048xf32, #tpu.memory_space<vmem>> -> memref<1x16x128xf32, #tpu.memory_space<vmem>>
        %dma_start3A_99 = tpu.memref_squeeze %dma_start3A_98 : memref<1x16x128xf32, #tpu.memory_space<vmem>> -> memref<16x128xf32, #tpu.memory_space<vmem>>
        %dma_start3A_100 = arith.constant 0 : i32
        %dma_start3A_101 = tpu.memref_slice %arg3[%dma_start3A_100, %multiple_of3A_95] : memref<16x1000000xf32, #tpu.memory_space<hbm>> -> memref<16x128xf32, #tpu.memory_space<hbm>>
        %dma_start3A_102 = arith.constant 0 : i32
        %dma_start3A_103 = arith.constant 640 : i32
        %dma_start3A_104 = tpu.memref_slice %arg6[%rem3A_14, %dma_start3A_102, %dma_start3A_103] : memref<2x16x2048xf32, #tpu.memory_space<vmem>> -> memref<1x16x128xf32, #tpu.memory_space<vmem>>
        %dma_start3A_105 = tpu.memref_squeeze %dma_start3A_104 : memref<1x16x128xf32, #tpu.memory_space<vmem>> -> memref<16x128xf32, #tpu.memory_space<vmem>>
        %dma_start3A_106 = arith.constant 0 : i32
        %dma_start3A_107 = tpu.memref_slice %arg3[%dma_start3A_106, %multiple_of3A_95] : memref<16x1000000xf32, #tpu.memory_space<hbm>> -> memref<16x128xf32, #tpu.memory_space<hbm>>
        tpu.enqueue_dma source(%dma_start3A_107 : memref<16x128xf32, #tpu.memory_space<hbm>>) target(%dma_start3A_105 : memref<16x128xf32, #tpu.memory_space<vmem>>) target_semaphore(%arg8 : memref<!tpu.dma_semaphore, #tpu.memory_space<semaphore_mem>>)
        %slice3A_108 = vector.extract_strided_slice %shift_left3A_21 {offsets = [6], sizes = [1], strides = [1]} : vector<16xi32> to vector<1xi32>
        %squeeze3A_109 = vector.extract %slice3A_108[0] : i32 from vector<1xi32>
        %multiple_of3A_110 = tpu.assume_multiple %squeeze3A_109, 128 : i32
        %dma_start3A_111 = arith.constant 0 : i32
        %dma_start3A_112 = arith.constant 768 : i32
        %dma_start3A_113 = tpu.memref_slice %arg6[%rem3A_14, %dma_start3A_111, %dma_start3A_112] : memref<2x16x2048xf32, #tpu.memory_space<vmem>> -> memref<1x16x128xf32, #tpu.memory_space<vmem>>
        %dma_start3A_114 = tpu.memref_squeeze %dma_start3A_113 : memref<1x16x128xf32, #tpu.memory_space<vmem>> -> memref<16x128xf32, #tpu.memory_space<vmem>>
        %dma_start3A_115 = arith.constant 0 : i32
        %dma_start3A_116 = tpu.memref_slice %arg3[%dma_start3A_115, %multiple_of3A_110] : memref<16x1000000xf32, #tpu.memory_space<hbm>> -> memref<16x128xf32, #tpu.memory_space<hbm>>
        %dma_start3A_117 = arith.constant 0 : i32
        %dma_start3A_118 = arith.constant 768 : i32
        %dma_start3A_119 = tpu.memref_slice %arg6[%rem3A_14, %dma_start3A_117, %dma_start3A_118] : memref<2x16x2048xf32, #tpu.memory_space<vmem>> -> memref<1x16x128xf32, #tpu.memory_space<vmem>>
        %dma_start3A_120 = tpu.memref_squeeze %dma_start3A_119 : memref<1x16x128xf32, #tpu.memory_space<vmem>> -> memref<16x128xf32, #tpu.memory_space<vmem>>
        %dma_start3A_121 = arith.constant 0 : i32
        %dma_start3A_122 = tpu.memref_slice %arg3[%dma_start3A_121, %multiple_of3A_110] : memref<16x1000000xf32, #tpu.memory_space<hbm>> -> memref<16x128xf32, #tpu.memory_space<hbm>>
        tpu.enqueue_dma source(%dma_start3A_122 : memref<16x128xf32, #tpu.memory_space<hbm>>) target(%dma_start3A_120 : memref<16x128xf32, #tpu.memory_space<vmem>>) target_semaphore(%arg8 : memref<!tpu.dma_semaphore, #tpu.memory_space<semaphore_mem>>)
        %slice3A_123 = vector.extract_strided_slice %shift_left3A_21 {offsets = [7], sizes = [1], strides = [1]} : vector<16xi32> to vector<1xi32>
        %squeeze3A_124 = vector.extract %slice3A_123[0] : i32 from vector<1xi32>
        %multiple_of3A_125 = tpu.assume_multiple %squeeze3A_124, 128 : i32
        %dma_start3A_126 = arith.constant 0 : i32
        %dma_start3A_127 = arith.constant 896 : i32
        %dma_start3A_128 = tpu.memref_slice %arg6[%rem3A_14, %dma_start3A_126, %dma_start3A_127] : memref<2x16x2048xf32, #tpu.memory_space<vmem>> -> memref<1x16x128xf32, #tpu.memory_space<vmem>>
        %dma_start3A_129 = tpu.memref_squeeze %dma_start3A_128 : memref<1x16x128xf32, #tpu.memory_space<vmem>> -> memref<16x128xf32, #tpu.memory_space<vmem>>
        %dma_start3A_130 = arith.constant 0 : i32
        %dma_start3A_131 = tpu.memref_slice %arg3[%dma_start3A_130, %multiple_of3A_125] : memref<16x1000000xf32, #tpu.memory_space<hbm>> -> memref<16x128xf32, #tpu.memory_space<hbm>>
        %dma_start3A_132 = arith.constant 0 : i32
        %dma_start3A_133 = arith.constant 896 : i32
        %dma_start3A_134 = tpu.memref_slice %arg6[%rem3A_14, %dma_start3A_132, %dma_start3A_133] : memref<2x16x2048xf32, #tpu.memory_space<vmem>> -> memref<1x16x128xf32, #tpu.memory_space<vmem>>
        %dma_start3A_135 = tpu.memref_squeeze %dma_start3A_134 : memref<1x16x128xf32, #tpu.memory_space<vmem>> -> memref<16x128xf32, #tpu.memory_space<vmem>>
        %dma_start3A_136 = arith.constant 0 : i32
        %dma_start3A_137 = tpu.memref_slice %arg3[%dma_start3A_136, %multiple_of3A_125] : memref<16x1000000xf32, #tpu.memory_space<hbm>> -> memref<16x128xf32, #tpu.memory_space<hbm>>
        tpu.enqueue_dma source(%dma_start3A_137 : memref<16x128xf32, #tpu.memory_space<hbm>>) target(%dma_start3A_135 : memref<16x128xf32, #tpu.memory_space<vmem>>) target_semaphore(%arg8 : memref<!tpu.dma_semaphore, #tpu.memory_space<semaphore_mem>>)
        %slice3A_138 = vector.extract_strided_slice %shift_left3A_21 {offsets = [8], sizes = [1], strides = [1]} : vector<16xi32> to vector<1xi32>
        %squeeze3A_139 = vector.extract %slice3A_138[0] : i32 from vector<1xi32>
        %multiple_of3A_140 = tpu.assume_multiple %squeeze3A_139, 128 : i32
        %dma_start3A_141 = arith.constant 0 : i32
        %dma_start3A_142 = arith.constant 1024 : i32
        %dma_start3A_143 = tpu.memref_slice %arg6[%rem3A_14, %dma_start3A_141, %dma_start3A_142] : memref<2x16x2048xf32, #tpu.memory_space<vmem>> -> memref<1x16x128xf32, #tpu.memory_space<vmem>>
        %dma_start3A_144 = tpu.memref_squeeze %dma_start3A_143 : memref<1x16x128xf32, #tpu.memory_space<vmem>> -> memref<16x128xf32, #tpu.memory_space<vmem>>
        %dma_start3A_145 = arith.constant 0 : i32
        %dma_start3A_146 = tpu.memref_slice %arg3[%dma_start3A_145, %multiple_of3A_140] : memref<16x1000000xf32, #tpu.memory_space<hbm>> -> memref<16x128xf32, #tpu.memory_space<hbm>>
        %dma_start3A_147 = arith.constant 0 : i32
        %dma_start3A_148 = arith.constant 1024 : i32
        %dma_start3A_149 = tpu.memref_slice %arg6[%rem3A_14, %dma_start3A_147, %dma_start3A_148] : memref<2x16x2048xf32, #tpu.memory_space<vmem>> -> memref<1x16x128xf32, #tpu.memory_space<vmem>>
        %dma_start3A_150 = tpu.memref_squeeze %dma_start3A_149 : memref<1x16x128xf32, #tpu.memory_space<vmem>> -> memref<16x128xf32, #tpu.memory_space<vmem>>
        %dma_start3A_151 = arith.constant 0 : i32
        %dma_start3A_152 = tpu.memref_slice %arg3[%dma_start3A_151, %multiple_of3A_140] : memref<16x1000000xf32, #tpu.memory_space<hbm>> -> memref<16x128xf32, #tpu.memory_space<hbm>>
        tpu.enqueue_dma source(%dma_start3A_152 : memref<16x128xf32, #tpu.memory_space<hbm>>) target(%dma_start3A_150 : memref<16x128xf32, #tpu.memory_space<vmem>>) target_semaphore(%arg8 : memref<!tpu.dma_semaphore, #tpu.memory_space<semaphore_mem>>)
        %slice3A_153 = vector.extract_strided_slice %shift_left3A_21 {offsets = [9], sizes = [1], strides = [1]} : vector<16xi32> to vector<1xi32>
        %squeeze3A_154 = vector.extract %slice3A_153[0] : i32 from vector<1xi32>
        %multiple_of3A_155 = tpu.assume_multiple %squeeze3A_154, 128 : i32
        %dma_start3A_156 = arith.constant 0 : i32
        %dma_start3A_157 = arith.constant 1152 : i32
        %dma_start3A_158 = tpu.memref_slice %arg6[%rem3A_14, %dma_start3A_156, %dma_start3A_157] : memref<2x16x2048xf32, #tpu.memory_space<vmem>> -> memref<1x16x128xf32, #tpu.memory_space<vmem>>
        %dma_start3A_159 = tpu.memref_squeeze %dma_start3A_158 : memref<1x16x128xf32, #tpu.memory_space<vmem>> -> memref<16x128xf32, #tpu.memory_space<vmem>>
        %dma_start3A_160 = arith.constant 0 : i32
        %dma_start3A_161 = tpu.memref_slice %arg3[%dma_start3A_160, %multiple_of3A_155] : memref<16x1000000xf32, #tpu.memory_space<hbm>> -> memref<16x128xf32, #tpu.memory_space<hbm>>
        %dma_start3A_162 = arith.constant 0 : i32
        %dma_start3A_163 = arith.constant 1152 : i32
        %dma_start3A_164 = tpu.memref_slice %arg6[%rem3A_14, %dma_start3A_162, %dma_start3A_163] : memref<2x16x2048xf32, #tpu.memory_space<vmem>> -> memref<1x16x128xf32, #tpu.memory_space<vmem>>
        %dma_start3A_165 = tpu.memref_squeeze %dma_start3A_164 : memref<1x16x128xf32, #tpu.memory_space<vmem>> -> memref<16x128xf32, #tpu.memory_space<vmem>>
        %dma_start3A_166 = arith.constant 0 : i32
        %dma_start3A_167 = tpu.memref_slice %arg3[%dma_start3A_166, %multiple_of3A_155] : memref<16x1000000xf32, #tpu.memory_space<hbm>> -> memref<16x128xf32, #tpu.memory_space<hbm>>
        tpu.enqueue_dma source(%dma_start3A_167 : memref<16x128xf32, #tpu.memory_space<hbm>>) target(%dma_start3A_165 : memref<16x128xf32, #tpu.memory_space<vmem>>) target_semaphore(%arg8 : memref<!tpu.dma_semaphore, #tpu.memory_space<semaphore_mem>>)
        %slice3A_168 = vector.extract_strided_slice %shift_left3A_21 {offsets = [10], sizes = [1], strides = [1]} : vector<16xi32> to vector<1xi32>
        %squeeze3A_169 = vector.extract %slice3A_168[0] : i32 from vector<1xi32>
        %multiple_of3A_170 = tpu.assume_multiple %squeeze3A_169, 128 : i32
        %dma_start3A_171 = arith.constant 0 : i32
        %dma_start3A_172 = arith.constant 1280 : i32
        %dma_start3A_173 = tpu.memref_slice %arg6[%rem3A_14, %dma_start3A_171, %dma_start3A_172] : memref<2x16x2048xf32, #tpu.memory_space<vmem>> -> memref<1x16x128xf32, #tpu.memory_space<vmem>>
        %dma_start3A_174 = tpu.memref_squeeze %dma_start3A_173 : memref<1x16x128xf32, #tpu.memory_space<vmem>> -> memref<16x128xf32, #tpu.memory_space<vmem>>
        %dma_start3A_175 = arith.constant 0 : i32
        %dma_start3A_176 = tpu.memref_slice %arg3[%dma_start3A_175, %multiple_of3A_170] : memref<16x1000000xf32, #tpu.memory_space<hbm>> -> memref<16x128xf32, #tpu.memory_space<hbm>>
        %dma_start3A_177 = arith.constant 0 : i32
        %dma_start3A_178 = arith.constant 1280 : i32
        %dma_start3A_179 = tpu.memref_slice %arg6[%rem3A_14, %dma_start3A_177, %dma_start3A_178] : memref<2x16x2048xf32, #tpu.memory_space<vmem>> -> memref<1x16x128xf32, #tpu.memory_space<vmem>>
        %dma_start3A_180 = tpu.memref_squeeze %dma_start3A_179 : memref<1x16x128xf32, #tpu.memory_space<vmem>> -> memref<16x128xf32, #tpu.memory_space<vmem>>
        %dma_start3A_181 = arith.constant 0 : i32
        %dma_start3A_182 = tpu.memref_slice %arg3[%dma_start3A_181, %multiple_of3A_170] : memref<16x1000000xf32, #tpu.memory_space<hbm>> -> memref<16x128xf32, #tpu.memory_space<hbm>>
        tpu.enqueue_dma source(%dma_start3A_182 : memref<16x128xf32, #tpu.memory_space<hbm>>) target(%dma_start3A_180 : memref<16x128xf32, #tpu.memory_space<vmem>>) target_semaphore(%arg8 : memref<!tpu.dma_semaphore, #tpu.memory_space<semaphore_mem>>)
        %slice3A_183 = vector.extract_strided_slice %shift_left3A_21 {offsets = [11], sizes = [1], strides = [1]} : vector<16xi32> to vector<1xi32>
        %squeeze3A_184 = vector.extract %slice3A_183[0] : i32 from vector<1xi32>
        %multiple_of3A_185 = tpu.assume_multiple %squeeze3A_184, 128 : i32
        %dma_start3A_186 = arith.constant 0 : i32
        %dma_start3A_187 = arith.constant 1408 : i32
        %dma_start3A_188 = tpu.memref_slice %arg6[%rem3A_14, %dma_start3A_186, %dma_start3A_187] : memref<2x16x2048xf32, #tpu.memory_space<vmem>> -> memref<1x16x128xf32, #tpu.memory_space<vmem>>
        %dma_start3A_189 = tpu.memref_squeeze %dma_start3A_188 : memref<1x16x128xf32, #tpu.memory_space<vmem>> -> memref<16x128xf32, #tpu.memory_space<vmem>>
        %dma_start3A_190 = arith.constant 0 : i32
        %dma_start3A_191 = tpu.memref_slice %arg3[%dma_start3A_190, %multiple_of3A_185] : memref<16x1000000xf32, #tpu.memory_space<hbm>> -> memref<16x128xf32, #tpu.memory_space<hbm>>
        %dma_start3A_192 = arith.constant 0 : i32
        %dma_start3A_193 = arith.constant 1408 : i32
        %dma_start3A_194 = tpu.memref_slice %arg6[%rem3A_14, %dma_start3A_192, %dma_start3A_193] : memref<2x16x2048xf32, #tpu.memory_space<vmem>> -> memref<1x16x128xf32, #tpu.memory_space<vmem>>
        %dma_start3A_195 = tpu.memref_squeeze %dma_start3A_194 : memref<1x16x128xf32, #tpu.memory_space<vmem>> -> memref<16x128xf32, #tpu.memory_space<vmem>>
        %dma_start3A_196 = arith.constant 0 : i32
        %dma_start3A_197 = tpu.memref_slice %arg3[%dma_start3A_196, %multiple_of3A_185] : memref<16x1000000xf32, #tpu.memory_space<hbm>> -> memref<16x128xf32, #tpu.memory_space<hbm>>
        tpu.enqueue_dma source(%dma_start3A_197 : memref<16x128xf32, #tpu.memory_space<hbm>>) target(%dma_start3A_195 : memref<16x128xf32, #tpu.memory_space<vmem>>) target_semaphore(%arg8 : memref<!tpu.dma_semaphore, #tpu.memory_space<semaphore_mem>>)
        %slice3A_198 = vector.extract_strided_slice %shift_left3A_21 {offsets = [12], sizes = [1], strides = [1]} : vector<16xi32> to vector<1xi32>
        %squeeze3A_199 = vector.extract %slice3A_198[0] : i32 from vector<1xi32>
        %multiple_of3A_200 = tpu.assume_multiple %squeeze3A_199, 128 : i32
        %dma_start3A_201 = arith.constant 0 : i32
        %dma_start3A_202 = arith.constant 1536 : i32
        %dma_start3A_203 = tpu.memref_slice %arg6[%rem3A_14, %dma_start3A_201, %dma_start3A_202] : memref<2x16x2048xf32, #tpu.memory_space<vmem>> -> memref<1x16x128xf32, #tpu.memory_space<vmem>>
        %dma_start3A_204 = tpu.memref_squeeze %dma_start3A_203 : memref<1x16x128xf32, #tpu.memory_space<vmem>> -> memref<16x128xf32, #tpu.memory_space<vmem>>
        %dma_start3A_205 = arith.constant 0 : i32
        %dma_start3A_206 = tpu.memref_slice %arg3[%dma_start3A_205, %multiple_of3A_200] : memref<16x1000000xf32, #tpu.memory_space<hbm>> -> memref<16x128xf32, #tpu.memory_space<hbm>>
        %dma_start3A_207 = arith.constant 0 : i32
        %dma_start3A_208 = arith.constant 1536 : i32
        %dma_start3A_209 = tpu.memref_slice %arg6[%rem3A_14, %dma_start3A_207, %dma_start3A_208] : memref<2x16x2048xf32, #tpu.memory_space<vmem>> -> memref<1x16x128xf32, #tpu.memory_space<vmem>>
        %dma_start3A_210 = tpu.memref_squeeze %dma_start3A_209 : memref<1x16x128xf32, #tpu.memory_space<vmem>> -> memref<16x128xf32, #tpu.memory_space<vmem>>
        %dma_start3A_211 = arith.constant 0 : i32
        %dma_start3A_212 = tpu.memref_slice %arg3[%dma_start3A_211, %multiple_of3A_200] : memref<16x1000000xf32, #tpu.memory_space<hbm>> -> memref<16x128xf32, #tpu.memory_space<hbm>>
        tpu.enqueue_dma source(%dma_start3A_212 : memref<16x128xf32, #tpu.memory_space<hbm>>) target(%dma_start3A_210 : memref<16x128xf32, #tpu.memory_space<vmem>>) target_semaphore(%arg8 : memref<!tpu.dma_semaphore, #tpu.memory_space<semaphore_mem>>)
        %slice3A_213 = vector.extract_strided_slice %shift_left3A_21 {offsets = [13], sizes = [1], strides = [1]} : vector<16xi32> to vector<1xi32>
        %squeeze3A_214 = vector.extract %slice3A_213[0] : i32 from vector<1xi32>
        %multiple_of3A_215 = tpu.assume_multiple %squeeze3A_214, 128 : i32
        %dma_start3A_216 = arith.constant 0 : i32
        %dma_start3A_217 = arith.constant 1664 : i32
        %dma_start3A_218 = tpu.memref_slice %arg6[%rem3A_14, %dma_start3A_216, %dma_start3A_217] : memref<2x16x2048xf32, #tpu.memory_space<vmem>> -> memref<1x16x128xf32, #tpu.memory_space<vmem>>
        %dma_start3A_219 = tpu.memref_squeeze %dma_start3A_218 : memref<1x16x128xf32, #tpu.memory_space<vmem>> -> memref<16x128xf32, #tpu.memory_space<vmem>>
        %dma_start3A_220 = arith.constant 0 : i32
        %dma_start3A_221 = tpu.memref_slice %arg3[%dma_start3A_220, %multiple_of3A_215] : memref<16x1000000xf32, #tpu.memory_space<hbm>> -> memref<16x128xf32, #tpu.memory_space<hbm>>
        %dma_start3A_222 = arith.constant 0 : i32
        %dma_start3A_223 = arith.constant 1664 : i32
        %dma_start3A_224 = tpu.memref_slice %arg6[%rem3A_14, %dma_start3A_222, %dma_start3A_223] : memref<2x16x2048xf32, #tpu.memory_space<vmem>> -> memref<1x16x128xf32, #tpu.memory_space<vmem>>
        %dma_start3A_225 = tpu.memref_squeeze %dma_start3A_224 : memref<1x16x128xf32, #tpu.memory_space<vmem>> -> memref<16x128xf32, #tpu.memory_space<vmem>>
        %dma_start3A_226 = arith.constant 0 : i32
        %dma_start3A_227 = tpu.memref_slice %arg3[%dma_start3A_226, %multiple_of3A_215] : memref<16x1000000xf32, #tpu.memory_space<hbm>> -> memref<16x128xf32, #tpu.memory_space<hbm>>
        tpu.enqueue_dma source(%dma_start3A_227 : memref<16x128xf32, #tpu.memory_space<hbm>>) target(%dma_start3A_225 : memref<16x128xf32, #tpu.memory_space<vmem>>) target_semaphore(%arg8 : memref<!tpu.dma_semaphore, #tpu.memory_space<semaphore_mem>>)
        %slice3A_228 = vector.extract_strided_slice %shift_left3A_21 {offsets = [14], sizes = [1], strides = [1]} : vector<16xi32> to vector<1xi32>
        %squeeze3A_229 = vector.extract %slice3A_228[0] : i32 from vector<1xi32>
        %multiple_of3A_230 = tpu.assume_multiple %squeeze3A_229, 128 : i32
        %dma_start3A_231 = arith.constant 0 : i32
        %dma_start3A_232 = arith.constant 1792 : i32
        %dma_start3A_233 = tpu.memref_slice %arg6[%rem3A_14, %dma_start3A_231, %dma_start3A_232] : memref<2x16x2048xf32, #tpu.memory_space<vmem>> -> memref<1x16x128xf32, #tpu.memory_space<vmem>>
        %dma_start3A_234 = tpu.memref_squeeze %dma_start3A_233 : memref<1x16x128xf32, #tpu.memory_space<vmem>> -> memref<16x128xf32, #tpu.memory_space<vmem>>
        %dma_start3A_235 = arith.constant 0 : i32
        %dma_start3A_236 = tpu.memref_slice %arg3[%dma_start3A_235, %multiple_of3A_230] : memref<16x1000000xf32, #tpu.memory_space<hbm>> -> memref<16x128xf32, #tpu.memory_space<hbm>>
        %dma_start3A_237 = arith.constant 0 : i32
        %dma_start3A_238 = arith.constant 1792 : i32
        %dma_start3A_239 = tpu.memref_slice %arg6[%rem3A_14, %dma_start3A_237, %dma_start3A_238] : memref<2x16x2048xf32, #tpu.memory_space<vmem>> -> memref<1x16x128xf32, #tpu.memory_space<vmem>>
        %dma_start3A_240 = tpu.memref_squeeze %dma_start3A_239 : memref<1x16x128xf32, #tpu.memory_space<vmem>> -> memref<16x128xf32, #tpu.memory_space<vmem>>
        %dma_start3A_241 = arith.constant 0 : i32
        %dma_start3A_242 = tpu.memref_slice %arg3[%dma_start3A_241, %multiple_of3A_230] : memref<16x1000000xf32, #tpu.memory_space<hbm>> -> memref<16x128xf32, #tpu.memory_space<hbm>>
        tpu.enqueue_dma source(%dma_start3A_242 : memref<16x128xf32, #tpu.memory_space<hbm>>) target(%dma_start3A_240 : memref<16x128xf32, #tpu.memory_space<vmem>>) target_semaphore(%arg8 : memref<!tpu.dma_semaphore, #tpu.memory_space<semaphore_mem>>)
        %slice3A_243 = vector.extract_strided_slice %shift_left3A_21 {offsets = [15], sizes = [1], strides = [1]} : vector<16xi32> to vector<1xi32>
        %squeeze3A_244 = vector.extract %slice3A_243[0] : i32 from vector<1xi32>
        %multiple_of3A_245 = tpu.assume_multiple %squeeze3A_244, 128 : i32
        %dma_start3A_246 = arith.constant 0 : i32
        %dma_start3A_247 = arith.constant 1920 : i32
        %dma_start3A_248 = tpu.memref_slice %arg6[%rem3A_14, %dma_start3A_246, %dma_start3A_247] : memref<2x16x2048xf32, #tpu.memory_space<vmem>> -> memref<1x16x128xf32, #tpu.memory_space<vmem>>
        %dma_start3A_249 = tpu.memref_squeeze %dma_start3A_248 : memref<1x16x128xf32, #tpu.memory_space<vmem>> -> memref<16x128xf32, #tpu.memory_space<vmem>>
        %dma_start3A_250 = arith.constant 0 : i32
        %dma_start3A_251 = tpu.memref_slice %arg3[%dma_start3A_250, %multiple_of3A_245] : memref<16x1000000xf32, #tpu.memory_space<hbm>> -> memref<16x128xf32, #tpu.memory_space<hbm>>
        %dma_start3A_252 = arith.constant 0 : i32
        %dma_start3A_253 = arith.constant 1920 : i32
        %dma_start3A_254 = tpu.memref_slice %arg6[%rem3A_14, %dma_start3A_252, %dma_start3A_253] : memref<2x16x2048xf32, #tpu.memory_space<vmem>> -> memref<1x16x128xf32, #tpu.memory_space<vmem>>
        %dma_start3A_255 = tpu.memref_squeeze %dma_start3A_254 : memref<1x16x128xf32, #tpu.memory_space<vmem>> -> memref<16x128xf32, #tpu.memory_space<vmem>>
        %dma_start3A_256 = arith.constant 0 : i32
        %dma_start3A_257 = tpu.memref_slice %arg3[%dma_start3A_256, %multiple_of3A_245] : memref<16x1000000xf32, #tpu.memory_space<hbm>> -> memref<16x128xf32, #tpu.memory_space<hbm>>
        tpu.enqueue_dma source(%dma_start3A_257 : memref<16x128xf32, #tpu.memory_space<hbm>>) target(%dma_start3A_255 : memref<16x128xf32, #tpu.memory_space<vmem>>) target_semaphore(%arg8 : memref<!tpu.dma_semaphore, #tpu.memory_space<semaphore_mem>>)
      } else {
      }
      %gt3A = arith.constant 0 : i32
      %gt3A_10 = arith.cmpi sgt, %scan3A_7, %gt3A : i32
      %convert_element_type3A_11 = arith.extui %gt3A_10 : i1 to i32
      %cond3A_12 = arith.constant 0 : i32
      %cond3A_13 = arith.cmpi ne, %convert_element_type3A_11, %cond3A_12 : i32
      scf.if %cond3A_13 {
        %sub3A = arith.constant 1 : i32
        %sub3A_14 = arith.subi %scan3A_7, %sub3A : i32
        %rem3A = arith.constant 2 : i32
        %rem3A_15 = arith.remsi %sub3A_14, %rem3A : i32
        %mul3A_16 = arith.constant 16 : i32
        %mul3A_17 = arith.muli %sub3A_14, %mul3A_16 : i32
        %get3A = arith.index_cast %mul3A_17 : i32 to index
        %get3A_18 = tpu.vector_load %arg5[%get3A] {strides = array<i32>} : memref<512xi32, #tpu.memory_space<vmem>>, vector<16xi32>,
        %and3A = arith.constant 127 : i32
        %and3A_19 = vector.broadcast %and3A : i32 to vector<16xi32>
        %and3A_20 = arith.andi %get3A_18, %and3A_19 : vector<16xi32>
        %dma_wait3A = arith.constant 0 : i32
        %dma_wait3A_21 = arith.constant 0 : i32
        %dma_wait3A_22 = tpu.memref_slice %arg6[%rem3A_15, %dma_wait3A, %dma_wait3A_21] : memref<2x16x2048xf32, #tpu.memory_space<vmem>> -> memref<1x16x128xf32, #tpu.memory_space<vmem>>
        %dma_wait3A_23 = tpu.memref_squeeze %dma_wait3A_22 : memref<1x16x128xf32, #tpu.memory_space<vmem>> -> memref<16x128xf32, #tpu.memory_space<vmem>>
        %dma_wait3A_24 = arith.constant 0 : i32
        %dma_wait3A_25 = arith.constant 0 : i32
        %dma_wait3A_26 = tpu.memref_slice %arg3[%dma_wait3A_24, %dma_wait3A_25] : memref<16x1000000xf32, #tpu.memory_space<hbm>> -> memref<16x128xf32, #tpu.memory_space<hbm>>
        %dma_wait3A_27 = arith.constant 0 : i32
        %dma_wait3A_28 = arith.constant 0 : i32
        %dma_wait3A_29 = tpu.memref_slice %arg6[%rem3A_15, %dma_wait3A_27, %dma_wait3A_28] : memref<2x16x2048xf32, #tpu.memory_space<vmem>> -> memref<1x16x128xf32, #tpu.memory_space<vmem>>
        %dma_wait3A_30 = tpu.memref_squeeze %dma_wait3A_29 : memref<1x16x128xf32, #tpu.memory_space<vmem>> -> memref<16x128xf32, #tpu.memory_space<vmem>>
        %dma_wait3A_31 = arith.constant 0 : i32
        %dma_wait3A_32 = arith.constant 0 : i32
        %dma_wait3A_33 = tpu.memref_slice %arg3[%dma_wait3A_31, %dma_wait3A_32] : memref<16x1000000xf32, #tpu.memory_space<hbm>> -> memref<16x128xf32, #tpu.memory_space<hbm>>
        tpu.wait_dma2 semaphore(%arg8 : memref<!tpu.dma_semaphore, #tpu.memory_space<semaphore_mem>>) src(%dma_wait3A_33 : memref<16x128xf32, #tpu.memory_space<hbm>>) dst(%dma_wait3A_30 : memref<16x128xf32, #tpu.memory_space<vmem>>)
        %dma_wait3A_34 = arith.constant 0 : i32
        %dma_wait3A_35 = arith.constant 128 : i32
        %dma_wait3A_36 = tpu.memref_slice %arg6[%rem3A_15, %dma_wait3A_34, %dma_wait3A_35] : memref<2x16x2048xf32, #tpu.memory_space<vmem>> -> memref<1x16x128xf32, #tpu.memory_space<vmem>>
        %dma_wait3A_37 = tpu.memref_squeeze %dma_wait3A_36 : memref<1x16x128xf32, #tpu.memory_space<vmem>> -> memref<16x128xf32, #tpu.memory_space<vmem>>
        %dma_wait3A_38 = arith.constant 0 : i32
        %dma_wait3A_39 = arith.constant 0 : i32
        %dma_wait3A_40 = tpu.memref_slice %arg3[%dma_wait3A_38, %dma_wait3A_39] : memref<16x1000000xf32, #tpu.memory_space<hbm>> -> memref<16x128xf32, #tpu.memory_space<hbm>>
        %dma_wait3A_41 = arith.constant 0 : i32
        %dma_wait3A_42 = arith.constant 128 : i32
        %dma_wait3A_43 = tpu.memref_slice %arg6[%rem3A_15, %dma_wait3A_41, %dma_wait3A_42] : memref<2x16x2048xf32, #tpu.memory_space<vmem>> -> memref<1x16x128xf32, #tpu.memory_space<vmem>>
        %dma_wait3A_44 = tpu.memref_squeeze %dma_wait3A_43 : memref<1x16x128xf32, #tpu.memory_space<vmem>> -> memref<16x128xf32, #tpu.memory_space<vmem>>
        %dma_wait3A_45 = arith.constant 0 : i32
        %dma_wait3A_46 = arith.constant 0 : i32
        %dma_wait3A_47 = tpu.memref_slice %arg3[%dma_wait3A_45, %dma_wait3A_46] : memref<16x1000000xf32, #tpu.memory_space<hbm>> -> memref<16x128xf32, #tpu.memory_space<hbm>>
        tpu.wait_dma2 semaphore(%arg8 : memref<!tpu.dma_semaphore, #tpu.memory_space<semaphore_mem>>) src(%dma_wait3A_47 : memref<16x128xf32, #tpu.memory_space<hbm>>) dst(%dma_wait3A_44 : memref<16x128xf32, #tpu.memory_space<vmem>>)
        %dma_wait3A_48 = arith.constant 0 : i32
        %dma_wait3A_49 = arith.constant 256 : i32
        %dma_wait3A_50 = tpu.memref_slice %arg6[%rem3A_15, %dma_wait3A_48, %dma_wait3A_49] : memref<2x16x2048xf32, #tpu.memory_space<vmem>> -> memref<1x16x128xf32, #tpu.memory_space<vmem>>
        %dma_wait3A_51 = tpu.memref_squeeze %dma_wait3A_50 : memref<1x16x128xf32, #tpu.memory_space<vmem>> -> memref<16x128xf32, #tpu.memory_space<vmem>>
        %dma_wait3A_52 = arith.constant 0 : i32
        %dma_wait3A_53 = arith.constant 0 : i32
        %dma_wait3A_54 = tpu.memref_slice %arg3[%dma_wait3A_52, %dma_wait3A_53] : memref<16x1000000xf32, #tpu.memory_space<hbm>> -> memref<16x128xf32, #tpu.memory_space<hbm>>
        %dma_wait3A_55 = arith.constant 0 : i32
        %dma_wait3A_56 = arith.constant 256 : i32
        %dma_wait3A_57 = tpu.memref_slice %arg6[%rem3A_15, %dma_wait3A_55, %dma_wait3A_56] : memref<2x16x2048xf32, #tpu.memory_space<vmem>> -> memref<1x16x128xf32, #tpu.memory_space<vmem>>
        %dma_wait3A_58 = tpu.memref_squeeze %dma_wait3A_57 : memref<1x16x128xf32, #tpu.memory_space<vmem>> -> memref<16x128xf32, #tpu.memory_space<vmem>>
        %dma_wait3A_59 = arith.constant 0 : i32
        %dma_wait3A_60 = arith.constant 0 : i32
        %dma_wait3A_61 = tpu.memref_slice %arg3[%dma_wait3A_59, %dma_wait3A_60] : memref<16x1000000xf32, #tpu.memory_space<hbm>> -> memref<16x128xf32, #tpu.memory_space<hbm>>
        tpu.wait_dma2 semaphore(%arg8 : memref<!tpu.dma_semaphore, #tpu.memory_space<semaphore_mem>>) src(%dma_wait3A_61 : memref<16x128xf32, #tpu.memory_space<hbm>>) dst(%dma_wait3A_58 : memref<16x128xf32, #tpu.memory_space<vmem>>)
        %dma_wait3A_62 = arith.constant 0 : i32
        %dma_wait3A_63 = arith.constant 384 : i32
        %dma_wait3A_64 = tpu.memref_slice %arg6[%rem3A_15, %dma_wait3A_62, %dma_wait3A_63] : memref<2x16x2048xf32, #tpu.memory_space<vmem>> -> memref<1x16x128xf32, #tpu.memory_space<vmem>>
        %dma_wait3A_65 = tpu.memref_squeeze %dma_wait3A_64 : memref<1x16x128xf32, #tpu.memory_space<vmem>> -> memref<16x128xf32, #tpu.memory_space<vmem>>
        %dma_wait3A_66 = arith.constant 0 : i32
        %dma_wait3A_67 = arith.constant 0 : i32
        %dma_wait3A_68 = tpu.memref_slice %arg3[%dma_wait3A_66, %dma_wait3A_67] : memref<16x1000000xf32, #tpu.memory_space<hbm>> -> memref<16x128xf32, #tpu.memory_space<hbm>>
        %dma_wait3A_69 = arith.constant 0 : i32
        %dma_wait3A_70 = arith.constant 384 : i32
        %dma_wait3A_71 = tpu.memref_slice %arg6[%rem3A_15, %dma_wait3A_69, %dma_wait3A_70] : memref<2x16x2048xf32, #tpu.memory_space<vmem>> -> memref<1x16x128xf32, #tpu.memory_space<vmem>>
        %dma_wait3A_72 = tpu.memref_squeeze %dma_wait3A_71 : memref<1x16x128xf32, #tpu.memory_space<vmem>> -> memref<16x128xf32, #tpu.memory_space<vmem>>
        %dma_wait3A_73 = arith.constant 0 : i32
        %dma_wait3A_74 = arith.constant 0 : i32
        %dma_wait3A_75 = tpu.memref_slice %arg3[%dma_wait3A_73, %dma_wait3A_74] : memref<16x1000000xf32, #tpu.memory_space<hbm>> -> memref<16x128xf32, #tpu.memory_space<hbm>>
        tpu.wait_dma2 semaphore(%arg8 : memref<!tpu.dma_semaphore, #tpu.memory_space<semaphore_mem>>) src(%dma_wait3A_75 : memref<16x128xf32, #tpu.memory_space<hbm>>) dst(%dma_wait3A_72 : memref<16x128xf32, #tpu.memory_space<vmem>>)
        %dma_wait3A_76 = arith.constant 0 : i32
        %dma_wait3A_77 = arith.constant 512 : i32
        %dma_wait3A_78 = tpu.memref_slice %arg6[%rem3A_15, %dma_wait3A_76, %dma_wait3A_77] : memref<2x16x2048xf32, #tpu.memory_space<vmem>> -> memref<1x16x128xf32, #tpu.memory_space<vmem>>
        %dma_wait3A_79 = tpu.memref_squeeze %dma_wait3A_78 : memref<1x16x128xf32, #tpu.memory_space<vmem>> -> memref<16x128xf32, #tpu.memory_space<vmem>>
        %dma_wait3A_80 = arith.constant 0 : i32
        %dma_wait3A_81 = arith.constant 0 : i32
        %dma_wait3A_82 = tpu.memref_slice %arg3[%dma_wait3A_80, %dma_wait3A_81] : memref<16x1000000xf32, #tpu.memory_space<hbm>> -> memref<16x128xf32, #tpu.memory_space<hbm>>
        %dma_wait3A_83 = arith.constant 0 : i32
        %dma_wait3A_84 = arith.constant 512 : i32
        %dma_wait3A_85 = tpu.memref_slice %arg6[%rem3A_15, %dma_wait3A_83, %dma_wait3A_84] : memref<2x16x2048xf32, #tpu.memory_space<vmem>> -> memref<1x16x128xf32, #tpu.memory_space<vmem>>
        %dma_wait3A_86 = tpu.memref_squeeze %dma_wait3A_85 : memref<1x16x128xf32, #tpu.memory_space<vmem>> -> memref<16x128xf32, #tpu.memory_space<vmem>>
        %dma_wait3A_87 = arith.constant 0 : i32
        %dma_wait3A_88 = arith.constant 0 : i32
        %dma_wait3A_89 = tpu.memref_slice %arg3[%dma_wait3A_87, %dma_wait3A_88] : memref<16x1000000xf32, #tpu.memory_space<hbm>> -> memref<16x128xf32, #tpu.memory_space<hbm>>
        tpu.wait_dma2 semaphore(%arg8 : memref<!tpu.dma_semaphore, #tpu.memory_space<semaphore_mem>>) src(%dma_wait3A_89 : memref<16x128xf32, #tpu.memory_space<hbm>>) dst(%dma_wait3A_86 : memref<16x128xf32, #tpu.memory_space<vmem>>)
        %dma_wait3A_90 = arith.constant 0 : i32
        %dma_wait3A_91 = arith.constant 640 : i32
        %dma_wait3A_92 = tpu.memref_slice %arg6[%rem3A_15, %dma_wait3A_90, %dma_wait3A_91] : memref<2x16x2048xf32, #tpu.memory_space<vmem>> -> memref<1x16x128xf32, #tpu.memory_space<vmem>>
        %dma_wait3A_93 = tpu.memref_squeeze %dma_wait3A_92 : memref<1x16x128xf32, #tpu.memory_space<vmem>> -> memref<16x128xf32, #tpu.memory_space<vmem>>
        %dma_wait3A_94 = arith.constant 0 : i32
        %dma_wait3A_95 = arith.constant 0 : i32
        %dma_wait3A_96 = tpu.memref_slice %arg3[%dma_wait3A_94, %dma_wait3A_95] : memref<16x1000000xf32, #tpu.memory_space<hbm>> -> memref<16x128xf32, #tpu.memory_space<hbm>>
        %dma_wait3A_97 = arith.constant 0 : i32
        %dma_wait3A_98 = arith.constant 640 : i32
        %dma_wait3A_99 = tpu.memref_slice %arg6[%rem3A_15, %dma_wait3A_97, %dma_wait3A_98] : memref<2x16x2048xf32, #tpu.memory_space<vmem>> -> memref<1x16x128xf32, #tpu.memory_space<vmem>>
        %dma_wait3A_100 = tpu.memref_squeeze %dma_wait3A_99 : memref<1x16x128xf32, #tpu.memory_space<vmem>> -> memref<16x128xf32, #tpu.memory_space<vmem>>
        %dma_wait3A_101 = arith.constant 0 : i32
        %dma_wait3A_102 = arith.constant 0 : i32
        %dma_wait3A_103 = tpu.memref_slice %arg3[%dma_wait3A_101, %dma_wait3A_102] : memref<16x1000000xf32, #tpu.memory_space<hbm>> -> memref<16x128xf32, #tpu.memory_space<hbm>>
        tpu.wait_dma2 semaphore(%arg8 : memref<!tpu.dma_semaphore, #tpu.memory_space<semaphore_mem>>) src(%dma_wait3A_103 : memref<16x128xf32, #tpu.memory_space<hbm>>) dst(%dma_wait3A_100 : memref<16x128xf32, #tpu.memory_space<vmem>>)
        %dma_wait3A_104 = arith.constant 0 : i32
        %dma_wait3A_105 = arith.constant 768 : i32
        %dma_wait3A_106 = tpu.memref_slice %arg6[%rem3A_15, %dma_wait3A_104, %dma_wait3A_105] : memref<2x16x2048xf32, #tpu.memory_space<vmem>> -> memref<1x16x128xf32, #tpu.memory_space<vmem>>
        %dma_wait3A_107 = tpu.memref_squeeze %dma_wait3A_106 : memref<1x16x128xf32, #tpu.memory_space<vmem>> -> memref<16x128xf32, #tpu.memory_space<vmem>>
        %dma_wait3A_108 = arith.constant 0 : i32
        %dma_wait3A_109 = arith.constant 0 : i32
        %dma_wait3A_110 = tpu.memref_slice %arg3[%dma_wait3A_108, %dma_wait3A_109] : memref<16x1000000xf32, #tpu.memory_space<hbm>> -> memref<16x128xf32, #tpu.memory_space<hbm>>
        %dma_wait3A_111 = arith.constant 0 : i32
        %dma_wait3A_112 = arith.constant 768 : i32
        %dma_wait3A_113 = tpu.memref_slice %arg6[%rem3A_15, %dma_wait3A_111, %dma_wait3A_112] : memref<2x16x2048xf32, #tpu.memory_space<vmem>> -> memref<1x16x128xf32, #tpu.memory_space<vmem>>
        %dma_wait3A_114 = tpu.memref_squeeze %dma_wait3A_113 : memref<1x16x128xf32, #tpu.memory_space<vmem>> -> memref<16x128xf32, #tpu.memory_space<vmem>>
        %dma_wait3A_115 = arith.constant 0 : i32
        %dma_wait3A_116 = arith.constant 0 : i32
        %dma_wait3A_117 = tpu.memref_slice %arg3[%dma_wait3A_115, %dma_wait3A_116] : memref<16x1000000xf32, #tpu.memory_space<hbm>> -> memref<16x128xf32, #tpu.memory_space<hbm>>
        tpu.wait_dma2 semaphore(%arg8 : memref<!tpu.dma_semaphore, #tpu.memory_space<semaphore_mem>>) src(%dma_wait3A_117 : memref<16x128xf32, #tpu.memory_space<hbm>>) dst(%dma_wait3A_114 : memref<16x128xf32, #tpu.memory_space<vmem>>)
        %dma_wait3A_118 = arith.constant 0 : i32
        %dma_wait3A_119 = arith.constant 896 : i32
        %dma_wait3A_120 = tpu.memref_slice %arg6[%rem3A_15, %dma_wait3A_118, %dma_wait3A_119] : memref<2x16x2048xf32, #tpu.memory_space<vmem>> -> memref<1x16x128xf32, #tpu.memory_space<vmem>>
        %dma_wait3A_121 = tpu.memref_squeeze %dma_wait3A_120 : memref<1x16x128xf32, #tpu.memory_space<vmem>> -> memref<16x128xf32, #tpu.memory_space<vmem>>
        %dma_wait3A_122 = arith.constant 0 : i32
        %dma_wait3A_123 = arith.constant 0 : i32
        %dma_wait3A_124 = tpu.memref_slice %arg3[%dma_wait3A_122, %dma_wait3A_123] : memref<16x1000000xf32, #tpu.memory_space<hbm>> -> memref<16x128xf32, #tpu.memory_space<hbm>>
        %dma_wait3A_125 = arith.constant 0 : i32
        %dma_wait3A_126 = arith.constant 896 : i32
        %dma_wait3A_127 = tpu.memref_slice %arg6[%rem3A_15, %dma_wait3A_125, %dma_wait3A_126] : memref<2x16x2048xf32, #tpu.memory_space<vmem>> -> memref<1x16x128xf32, #tpu.memory_space<vmem>>
        %dma_wait3A_128 = tpu.memref_squeeze %dma_wait3A_127 : memref<1x16x128xf32, #tpu.memory_space<vmem>> -> memref<16x128xf32, #tpu.memory_space<vmem>>
        %dma_wait3A_129 = arith.constant 0 : i32
        %dma_wait3A_130 = arith.constant 0 : i32
        %dma_wait3A_131 = tpu.memref_slice %arg3[%dma_wait3A_129, %dma_wait3A_130] : memref<16x1000000xf32, #tpu.memory_space<hbm>> -> memref<16x128xf32, #tpu.memory_space<hbm>>
        tpu.wait_dma2 semaphore(%arg8 : memref<!tpu.dma_semaphore, #tpu.memory_space<semaphore_mem>>) src(%dma_wait3A_131 : memref<16x128xf32, #tpu.memory_space<hbm>>) dst(%dma_wait3A_128 : memref<16x128xf32, #tpu.memory_space<vmem>>)
        %dma_wait3A_132 = arith.constant 0 : i32
        %dma_wait3A_133 = arith.constant 1024 : i32
        %dma_wait3A_134 = tpu.memref_slice %arg6[%rem3A_15, %dma_wait3A_132, %dma_wait3A_133] : memref<2x16x2048xf32, #tpu.memory_space<vmem>> -> memref<1x16x128xf32, #tpu.memory_space<vmem>>
        %dma_wait3A_135 = tpu.memref_squeeze %dma_wait3A_134 : memref<1x16x128xf32, #tpu.memory_space<vmem>> -> memref<16x128xf32, #tpu.memory_space<vmem>>
        %dma_wait3A_136 = arith.constant 0 : i32
        %dma_wait3A_137 = arith.constant 0 : i32
        %dma_wait3A_138 = tpu.memref_slice %arg3[%dma_wait3A_136, %dma_wait3A_137] : memref<16x1000000xf32, #tpu.memory_space<hbm>> -> memref<16x128xf32, #tpu.memory_space<hbm>>
        %dma_wait3A_139 = arith.constant 0 : i32
        %dma_wait3A_140 = arith.constant 1024 : i32
        %dma_wait3A_141 = tpu.memref_slice %arg6[%rem3A_15, %dma_wait3A_139, %dma_wait3A_140] : memref<2x16x2048xf32, #tpu.memory_space<vmem>> -> memref<1x16x128xf32, #tpu.memory_space<vmem>>
        %dma_wait3A_142 = tpu.memref_squeeze %dma_wait3A_141 : memref<1x16x128xf32, #tpu.memory_space<vmem>> -> memref<16x128xf32, #tpu.memory_space<vmem>>
        %dma_wait3A_143 = arith.constant 0 : i32
        %dma_wait3A_144 = arith.constant 0 : i32
        %dma_wait3A_145 = tpu.memref_slice %arg3[%dma_wait3A_143, %dma_wait3A_144] : memref<16x1000000xf32, #tpu.memory_space<hbm>> -> memref<16x128xf32, #tpu.memory_space<hbm>>
        tpu.wait_dma2 semaphore(%arg8 : memref<!tpu.dma_semaphore, #tpu.memory_space<semaphore_mem>>) src(%dma_wait3A_145 : memref<16x128xf32, #tpu.memory_space<hbm>>) dst(%dma_wait3A_142 : memref<16x128xf32, #tpu.memory_space<vmem>>)
        %dma_wait3A_146 = arith.constant 0 : i32
        %dma_wait3A_147 = arith.constant 1152 : i32
        %dma_wait3A_148 = tpu.memref_slice %arg6[%rem3A_15, %dma_wait3A_146, %dma_wait3A_147] : memref<2x16x2048xf32, #tpu.memory_space<vmem>> -> memref<1x16x128xf32, #tpu.memory_space<vmem>>
        %dma_wait3A_149 = tpu.memref_squeeze %dma_wait3A_148 : memref<1x16x128xf32, #tpu.memory_space<vmem>> -> memref<16x128xf32, #tpu.memory_space<vmem>>
        %dma_wait3A_150 = arith.constant 0 : i32
        %dma_wait3A_151 = arith.constant 0 : i32
        %dma_wait3A_152 = tpu.memref_slice %arg3[%dma_wait3A_150, %dma_wait3A_151] : memref<16x1000000xf32, #tpu.memory_space<hbm>> -> memref<16x128xf32, #tpu.memory_space<hbm>>
        %dma_wait3A_153 = arith.constant 0 : i32
        %dma_wait3A_154 = arith.constant 1152 : i32
        %dma_wait3A_155 = tpu.memref_slice %arg6[%rem3A_15, %dma_wait3A_153, %dma_wait3A_154] : memref<2x16x2048xf32, #tpu.memory_space<vmem>> -> memref<1x16x128xf32, #tpu.memory_space<vmem>>
        %dma_wait3A_156 = tpu.memref_squeeze %dma_wait3A_155 : memref<1x16x128xf32, #tpu.memory_space<vmem>> -> memref<16x128xf32, #tpu.memory_space<vmem>>
        %dma_wait3A_157 = arith.constant 0 : i32
        %dma_wait3A_158 = arith.constant 0 : i32
        %dma_wait3A_159 = tpu.memref_slice %arg3[%dma_wait3A_157, %dma_wait3A_158] : memref<16x1000000xf32, #tpu.memory_space<hbm>> -> memref<16x128xf32, #tpu.memory_space<hbm>>
        tpu.wait_dma2 semaphore(%arg8 : memref<!tpu.dma_semaphore, #tpu.memory_space<semaphore_mem>>) src(%dma_wait3A_159 : memref<16x128xf32, #tpu.memory_space<hbm>>) dst(%dma_wait3A_156 : memref<16x128xf32, #tpu.memory_space<vmem>>)
        %dma_wait3A_160 = arith.constant 0 : i32
        %dma_wait3A_161 = arith.constant 1280 : i32
        %dma_wait3A_162 = tpu.memref_slice %arg6[%rem3A_15, %dma_wait3A_160, %dma_wait3A_161] : memref<2x16x2048xf32, #tpu.memory_space<vmem>> -> memref<1x16x128xf32, #tpu.memory_space<vmem>>
        %dma_wait3A_163 = tpu.memref_squeeze %dma_wait3A_162 : memref<1x16x128xf32, #tpu.memory_space<vmem>> -> memref<16x128xf32, #tpu.memory_space<vmem>>
        %dma_wait3A_164 = arith.constant 0 : i32
        %dma_wait3A_165 = arith.constant 0 : i32
        %dma_wait3A_166 = tpu.memref_slice %arg3[%dma_wait3A_164, %dma_wait3A_165] : memref<16x1000000xf32, #tpu.memory_space<hbm>> -> memref<16x128xf32, #tpu.memory_space<hbm>>
        %dma_wait3A_167 = arith.constant 0 : i32
        %dma_wait3A_168 = arith.constant 1280 : i32
        %dma_wait3A_169 = tpu.memref_slice %arg6[%rem3A_15, %dma_wait3A_167, %dma_wait3A_168] : memref<2x16x2048xf32, #tpu.memory_space<vmem>> -> memref<1x16x128xf32, #tpu.memory_space<vmem>>
        %dma_wait3A_170 = tpu.memref_squeeze %dma_wait3A_169 : memref<1x16x128xf32, #tpu.memory_space<vmem>> -> memref<16x128xf32, #tpu.memory_space<vmem>>
        %dma_wait3A_171 = arith.constant 0 : i32
        %dma_wait3A_172 = arith.constant 0 : i32
        %dma_wait3A_173 = tpu.memref_slice %arg3[%dma_wait3A_171, %dma_wait3A_172] : memref<16x1000000xf32, #tpu.memory_space<hbm>> -> memref<16x128xf32, #tpu.memory_space<hbm>>
        tpu.wait_dma2 semaphore(%arg8 : memref<!tpu.dma_semaphore, #tpu.memory_space<semaphore_mem>>) src(%dma_wait3A_173 : memref<16x128xf32, #tpu.memory_space<hbm>>) dst(%dma_wait3A_170 : memref<16x128xf32, #tpu.memory_space<vmem>>)
        %dma_wait3A_174 = arith.constant 0 : i32
        %dma_wait3A_175 = arith.constant 1408 : i32
        %dma_wait3A_176 = tpu.memref_slice %arg6[%rem3A_15, %dma_wait3A_174, %dma_wait3A_175] : memref<2x16x2048xf32, #tpu.memory_space<vmem>> -> memref<1x16x128xf32, #tpu.memory_space<vmem>>
        %dma_wait3A_177 = tpu.memref_squeeze %dma_wait3A_176 : memref<1x16x128xf32, #tpu.memory_space<vmem>> -> memref<16x128xf32, #tpu.memory_space<vmem>>
        %dma_wait3A_178 = arith.constant 0 : i32
        %dma_wait3A_179 = arith.constant 0 : i32
        %dma_wait3A_180 = tpu.memref_slice %arg3[%dma_wait3A_178, %dma_wait3A_179] : memref<16x1000000xf32, #tpu.memory_space<hbm>> -> memref<16x128xf32, #tpu.memory_space<hbm>>
        %dma_wait3A_181 = arith.constant 0 : i32
        %dma_wait3A_182 = arith.constant 1408 : i32
        %dma_wait3A_183 = tpu.memref_slice %arg6[%rem3A_15, %dma_wait3A_181, %dma_wait3A_182] : memref<2x16x2048xf32, #tpu.memory_space<vmem>> -> memref<1x16x128xf32, #tpu.memory_space<vmem>>
        %dma_wait3A_184 = tpu.memref_squeeze %dma_wait3A_183 : memref<1x16x128xf32, #tpu.memory_space<vmem>> -> memref<16x128xf32, #tpu.memory_space<vmem>>
        %dma_wait3A_185 = arith.constant 0 : i32
        %dma_wait3A_186 = arith.constant 0 : i32
        %dma_wait3A_187 = tpu.memref_slice %arg3[%dma_wait3A_185, %dma_wait3A_186] : memref<16x1000000xf32, #tpu.memory_space<hbm>> -> memref<16x128xf32, #tpu.memory_space<hbm>>
        tpu.wait_dma2 semaphore(%arg8 : memref<!tpu.dma_semaphore, #tpu.memory_space<semaphore_mem>>) src(%dma_wait3A_187 : memref<16x128xf32, #tpu.memory_space<hbm>>) dst(%dma_wait3A_184 : memref<16x128xf32, #tpu.memory_space<vmem>>)
        %dma_wait3A_188 = arith.constant 0 : i32
        %dma_wait3A_189 = arith.constant 1536 : i32
        %dma_wait3A_190 = tpu.memref_slice %arg6[%rem3A_15, %dma_wait3A_188, %dma_wait3A_189] : memref<2x16x2048xf32, #tpu.memory_space<vmem>> -> memref<1x16x128xf32, #tpu.memory_space<vmem>>
        %dma_wait3A_191 = tpu.memref_squeeze %dma_wait3A_190 : memref<1x16x128xf32, #tpu.memory_space<vmem>> -> memref<16x128xf32, #tpu.memory_space<vmem>>
        %dma_wait3A_192 = arith.constant 0 : i32
        %dma_wait3A_193 = arith.constant 0 : i32
        %dma_wait3A_194 = tpu.memref_slice %arg3[%dma_wait3A_192, %dma_wait3A_193] : memref<16x1000000xf32, #tpu.memory_space<hbm>> -> memref<16x128xf32, #tpu.memory_space<hbm>>
        %dma_wait3A_195 = arith.constant 0 : i32
        %dma_wait3A_196 = arith.constant 1536 : i32
        %dma_wait3A_197 = tpu.memref_slice %arg6[%rem3A_15, %dma_wait3A_195, %dma_wait3A_196] : memref<2x16x2048xf32, #tpu.memory_space<vmem>> -> memref<1x16x128xf32, #tpu.memory_space<vmem>>
        %dma_wait3A_198 = tpu.memref_squeeze %dma_wait3A_197 : memref<1x16x128xf32, #tpu.memory_space<vmem>> -> memref<16x128xf32, #tpu.memory_space<vmem>>
        %dma_wait3A_199 = arith.constant 0 : i32
        %dma_wait3A_200 = arith.constant 0 : i32
        %dma_wait3A_201 = tpu.memref_slice %arg3[%dma_wait3A_199, %dma_wait3A_200] : memref<16x1000000xf32, #tpu.memory_space<hbm>> -> memref<16x128xf32, #tpu.memory_space<hbm>>
        tpu.wait_dma2 semaphore(%arg8 : memref<!tpu.dma_semaphore, #tpu.memory_space<semaphore_mem>>) src(%dma_wait3A_201 : memref<16x128xf32, #tpu.memory_space<hbm>>) dst(%dma_wait3A_198 : memref<16x128xf32, #tpu.memory_space<vmem>>)
        %dma_wait3A_202 = arith.constant 0 : i32
        %dma_wait3A_203 = arith.constant 1664 : i32
        %dma_wait3A_204 = tpu.memref_slice %arg6[%rem3A_15, %dma_wait3A_202, %dma_wait3A_203] : memref<2x16x2048xf32, #tpu.memory_space<vmem>> -> memref<1x16x128xf32, #tpu.memory_space<vmem>>
        %dma_wait3A_205 = tpu.memref_squeeze %dma_wait3A_204 : memref<1x16x128xf32, #tpu.memory_space<vmem>> -> memref<16x128xf32, #tpu.memory_space<vmem>>
        %dma_wait3A_206 = arith.constant 0 : i32
        %dma_wait3A_207 = arith.constant 0 : i32
        %dma_wait3A_208 = tpu.memref_slice %arg3[%dma_wait3A_206, %dma_wait3A_207] : memref<16x1000000xf32, #tpu.memory_space<hbm>> -> memref<16x128xf32, #tpu.memory_space<hbm>>
        %dma_wait3A_209 = arith.constant 0 : i32
        %dma_wait3A_210 = arith.constant 1664 : i32
        %dma_wait3A_211 = tpu.memref_slice %arg6[%rem3A_15, %dma_wait3A_209, %dma_wait3A_210] : memref<2x16x2048xf32, #tpu.memory_space<vmem>> -> memref<1x16x128xf32, #tpu.memory_space<vmem>>
        %dma_wait3A_212 = tpu.memref_squeeze %dma_wait3A_211 : memref<1x16x128xf32, #tpu.memory_space<vmem>> -> memref<16x128xf32, #tpu.memory_space<vmem>>
        %dma_wait3A_213 = arith.constant 0 : i32
        %dma_wait3A_214 = arith.constant 0 : i32
        %dma_wait3A_215 = tpu.memref_slice %arg3[%dma_wait3A_213, %dma_wait3A_214] : memref<16x1000000xf32, #tpu.memory_space<hbm>> -> memref<16x128xf32, #tpu.memory_space<hbm>>
        tpu.wait_dma2 semaphore(%arg8 : memref<!tpu.dma_semaphore, #tpu.memory_space<semaphore_mem>>) src(%dma_wait3A_215 : memref<16x128xf32, #tpu.memory_space<hbm>>) dst(%dma_wait3A_212 : memref<16x128xf32, #tpu.memory_space<vmem>>)
        %dma_wait3A_216 = arith.constant 0 : i32
        %dma_wait3A_217 = arith.constant 1792 : i32
        %dma_wait3A_218 = tpu.memref_slice %arg6[%rem3A_15, %dma_wait3A_216, %dma_wait3A_217] : memref<2x16x2048xf32, #tpu.memory_space<vmem>> -> memref<1x16x128xf32, #tpu.memory_space<vmem>>
        %dma_wait3A_219 = tpu.memref_squeeze %dma_wait3A_218 : memref<1x16x128xf32, #tpu.memory_space<vmem>> -> memref<16x128xf32, #tpu.memory_space<vmem>>
        %dma_wait3A_220 = arith.constant 0 : i32
        %dma_wait3A_221 = arith.constant 0 : i32
        %dma_wait3A_222 = tpu.memref_slice %arg3[%dma_wait3A_220, %dma_wait3A_221] : memref<16x1000000xf32, #tpu.memory_space<hbm>> -> memref<16x128xf32, #tpu.memory_space<hbm>>
        %dma_wait3A_223 = arith.constant 0 : i32
        %dma_wait3A_224 = arith.constant 1792 : i32
        %dma_wait3A_225 = tpu.memref_slice %arg6[%rem3A_15, %dma_wait3A_223, %dma_wait3A_224] : memref<2x16x2048xf32, #tpu.memory_space<vmem>> -> memref<1x16x128xf32, #tpu.memory_space<vmem>>
        %dma_wait3A_226 = tpu.memref_squeeze %dma_wait3A_225 : memref<1x16x128xf32, #tpu.memory_space<vmem>> -> memref<16x128xf32, #tpu.memory_space<vmem>>
        %dma_wait3A_227 = arith.constant 0 : i32
        %dma_wait3A_228 = arith.constant 0 : i32
        %dma_wait3A_229 = tpu.memref_slice %arg3[%dma_wait3A_227, %dma_wait3A_228] : memref<16x1000000xf32, #tpu.memory_space<hbm>> -> memref<16x128xf32, #tpu.memory_space<hbm>>
        tpu.wait_dma2 semaphore(%arg8 : memref<!tpu.dma_semaphore, #tpu.memory_space<semaphore_mem>>) src(%dma_wait3A_229 : memref<16x128xf32, #tpu.memory_space<hbm>>) dst(%dma_wait3A_226 : memref<16x128xf32, #tpu.memory_space<vmem>>)
        %dma_wait3A_230 = arith.constant 0 : i32
        %dma_wait3A_231 = arith.constant 1920 : i32
        %dma_wait3A_232 = tpu.memref_slice %arg6[%rem3A_15, %dma_wait3A_230, %dma_wait3A_231] : memref<2x16x2048xf32, #tpu.memory_space<vmem>> -> memref<1x16x128xf32, #tpu.memory_space<vmem>>
        %dma_wait3A_233 = tpu.memref_squeeze %dma_wait3A_232 : memref<1x16x128xf32, #tpu.memory_space<vmem>> -> memref<16x128xf32, #tpu.memory_space<vmem>>
        %dma_wait3A_234 = arith.constant 0 : i32
        %dma_wait3A_235 = arith.constant 0 : i32
        %dma_wait3A_236 = tpu.memref_slice %arg3[%dma_wait3A_234, %dma_wait3A_235] : memref<16x1000000xf32, #tpu.memory_space<hbm>> -> memref<16x128xf32, #tpu.memory_space<hbm>>
        %dma_wait3A_237 = arith.constant 0 : i32
        %dma_wait3A_238 = arith.constant 1920 : i32
        %dma_wait3A_239 = tpu.memref_slice %arg6[%rem3A_15, %dma_wait3A_237, %dma_wait3A_238] : memref<2x16x2048xf32, #tpu.memory_space<vmem>> -> memref<1x16x128xf32, #tpu.memory_space<vmem>>
        %dma_wait3A_240 = tpu.memref_squeeze %dma_wait3A_239 : memref<1x16x128xf32, #tpu.memory_space<vmem>> -> memref<16x128xf32, #tpu.memory_space<vmem>>
        %dma_wait3A_241 = arith.constant 0 : i32
        %dma_wait3A_242 = arith.constant 0 : i32
        %dma_wait3A_243 = tpu.memref_slice %arg3[%dma_wait3A_241, %dma_wait3A_242] : memref<16x1000000xf32, #tpu.memory_space<hbm>> -> memref<16x128xf32, #tpu.memory_space<hbm>>
        tpu.wait_dma2 semaphore(%arg8 : memref<!tpu.dma_semaphore, #tpu.memory_space<semaphore_mem>>) src(%dma_wait3A_243 : memref<16x128xf32, #tpu.memory_space<hbm>>) dst(%dma_wait3A_240 : memref<16x128xf32, #tpu.memory_space<vmem>>)
        %slice3A = vector.extract_strided_slice %and3A_20 {offsets = [0], sizes = [1], strides = [1]} : vector<16xi32> to vector<1xi32>
        %squeeze3A = vector.extract %slice3A[0] : i32 from vector<1xi32>
        %add3A_244 = arith.constant 0 : i32
        %add3A_245 = arith.addi %squeeze3A, %add3A_244 : i32
        %broadcast_in_dim3A = vector.broadcast %add3A_245 : i32 to vector<16xi32>
        %gather3A = arith.constant 0 : i32
        %gather3A_246 = arith.constant 0 : i32
        %gather3A_247 = tpu.memref_slice %arg6[%rem3A_15, %gather3A, %gather3A_246] : memref<2x16x2048xf32, #tpu.memory_space<vmem>> -> memref<1x16x2048xf32, #tpu.memory_space<vmem>>
        %gather3A_248 = tpu.memref_squeeze %gather3A_247 : memref<1x16x2048xf32, #tpu.memory_space<vmem>> -> memref<16x2048xf32, #tpu.memory_space<vmem>>
        %gather3A_249 = tpu.vector_load_idx %gather3A_248[%iota3A, %broadcast_in_dim3A] : memref<16x2048xf32, #tpu.memory_space<vmem>>[vector<16xi32>, vector<16xi32>], vector<16xf32>,
        %mul3A_250 = arith.constant 16 : i32
        %mul3A_251 = arith.muli %sub3A_14, %mul3A_250 : i32
        %add3A_252 = arith.constant 0 : i32
        %add3A_253 = arith.addi %mul3A_251, %add3A_252 : i32
        %broadcast_in_dim3A_254 = vector.broadcast %add3A_253 : i32 to vector<16xi32>
        tpu.vector_store_idx %arg7[%iota3A, %broadcast_in_dim3A_254], %gather3A_249 : memref<16x512xf32, #tpu.memory_space<vmem>>[vector<16xi32>, vector<16xi32>], vector<16xf32>,
        %slice3A_255 = vector.extract_strided_slice %and3A_20 {offsets = [1], sizes = [1], strides = [1]} : vector<16xi32> to vector<1xi32>
        %squeeze3A_256 = vector.extract %slice3A_255[0] : i32 from vector<1xi32>
        %add3A_257 = arith.constant 128 : i32
        %add3A_258 = arith.addi %squeeze3A_256, %add3A_257 : i32
        %broadcast_in_dim3A_259 = vector.broadcast %add3A_258 : i32 to vector<16xi32>
        %gather3A_260 = arith.constant 0 : i32
        %gather3A_261 = arith.constant 0 : i32
        %gather3A_262 = tpu.memref_slice %arg6[%rem3A_15, %gather3A_260, %gather3A_261] : memref<2x16x2048xf32, #tpu.memory_space<vmem>> -> memref<1x16x2048xf32, #tpu.memory_space<vmem>>
        %gather3A_263 = tpu.memref_squeeze %gather3A_262 : memref<1x16x2048xf32, #tpu.memory_space<vmem>> -> memref<16x2048xf32, #tpu.memory_space<vmem>>
        %gather3A_264 = tpu.vector_load_idx %gather3A_263[%iota3A, %broadcast_in_dim3A_259] : memref<16x2048xf32, #tpu.memory_space<vmem>>[vector<16xi32>, vector<16xi32>], vector<16xf32>,
        %mul3A_265 = arith.constant 16 : i32
        %mul3A_266 = arith.muli %sub3A_14, %mul3A_265 : i32
        %add3A_267 = arith.constant 1 : i32
        %add3A_268 = arith.addi %mul3A_266, %add3A_267 : i32
        %broadcast_in_dim3A_269 = vector.broadcast %add3A_268 : i32 to vector<16xi32>
        tpu.vector_store_idx %arg7[%iota3A, %broadcast_in_dim3A_269], %gather3A_264 : memref<16x512xf32, #tpu.memory_space<vmem>>[vector<16xi32>, vector<16xi32>], vector<16xf32>,
        %slice3A_270 = vector.extract_strided_slice %and3A_20 {offsets = [2], sizes = [1], strides = [1]} : vector<16xi32> to vector<1xi32>
        %squeeze3A_271 = vector.extract %slice3A_270[0] : i32 from vector<1xi32>
        %add3A_272 = arith.constant 256 : i32
        %add3A_273 = arith.addi %squeeze3A_271, %add3A_272 : i32
        %broadcast_in_dim3A_274 = vector.broadcast %add3A_273 : i32 to vector<16xi32>
        %gather3A_275 = arith.constant 0 : i32
        %gather3A_276 = arith.constant 0 : i32
        %gather3A_277 = tpu.memref_slice %arg6[%rem3A_15, %gather3A_275, %gather3A_276] : memref<2x16x2048xf32, #tpu.memory_space<vmem>> -> memref<1x16x2048xf32, #tpu.memory_space<vmem>>
        %gather3A_278 = tpu.memref_squeeze %gather3A_277 : memref<1x16x2048xf32, #tpu.memory_space<vmem>> -> memref<16x2048xf32, #tpu.memory_space<vmem>>
        %gather3A_279 = tpu.vector_load_idx %gather3A_278[%iota3A, %broadcast_in_dim3A_274] : memref<16x2048xf32, #tpu.memory_space<vmem>>[vector<16xi32>, vector<16xi32>], vector<16xf32>,
        %mul3A_280 = arith.constant 16 : i32
        %mul3A_281 = arith.muli %sub3A_14, %mul3A_280 : i32
        %add3A_282 = arith.constant 2 : i32
        %add3A_283 = arith.addi %mul3A_281, %add3A_282 : i32
        %broadcast_in_dim3A_284 = vector.broadcast %add3A_283 : i32 to vector<16xi32>
        tpu.vector_store_idx %arg7[%iota3A, %broadcast_in_dim3A_284], %gather3A_279 : memref<16x512xf32, #tpu.memory_space<vmem>>[vector<16xi32>, vector<16xi32>], vector<16xf32>,
        %slice3A_285 = vector.extract_strided_slice %and3A_20 {offsets = [3], sizes = [1], strides = [1]} : vector<16xi32> to vector<1xi32>
        %squeeze3A_286 = vector.extract %slice3A_285[0] : i32 from vector<1xi32>
        %add3A_287 = arith.constant 384 : i32
        %add3A_288 = arith.addi %squeeze3A_286, %add3A_287 : i32
        %broadcast_in_dim3A_289 = vector.broadcast %add3A_288 : i32 to vector<16xi32>
        %gather3A_290 = arith.constant 0 : i32
        %gather3A_291 = arith.constant 0 : i32
        %gather3A_292 = tpu.memref_slice %arg6[%rem3A_15, %gather3A_290, %gather3A_291] : memref<2x16x2048xf32, #tpu.memory_space<vmem>> -> memref<1x16x2048xf32, #tpu.memory_space<vmem>>
        %gather3A_293 = tpu.memref_squeeze %gather3A_292 : memref<1x16x2048xf32, #tpu.memory_space<vmem>> -> memref<16x2048xf32, #tpu.memory_space<vmem>>
        %gather3A_294 = tpu.vector_load_idx %gather3A_293[%iota3A, %broadcast_in_dim3A_289] : memref<16x2048xf32, #tpu.memory_space<vmem>>[vector<16xi32>, vector<16xi32>], vector<16xf32>,
        %mul3A_295 = arith.constant 16 : i32
        %mul3A_296 = arith.muli %sub3A_14, %mul3A_295 : i32
        %add3A_297 = arith.constant 3 : i32
        %add3A_298 = arith.addi %mul3A_296, %add3A_297 : i32
        %broadcast_in_dim3A_299 = vector.broadcast %add3A_298 : i32 to vector<16xi32>
        tpu.vector_store_idx %arg7[%iota3A, %broadcast_in_dim3A_299], %gather3A_294 : memref<16x512xf32, #tpu.memory_space<vmem>>[vector<16xi32>, vector<16xi32>], vector<16xf32>,
        %slice3A_300 = vector.extract_strided_slice %and3A_20 {offsets = [4], sizes = [1], strides = [1]} : vector<16xi32> to vector<1xi32>
        %squeeze3A_301 = vector.extract %slice3A_300[0] : i32 from vector<1xi32>
        %add3A_302 = arith.constant 512 : i32
        %add3A_303 = arith.addi %squeeze3A_301, %add3A_302 : i32
        %broadcast_in_dim3A_304 = vector.broadcast %add3A_303 : i32 to vector<16xi32>
        %gather3A_305 = arith.constant 0 : i32
        %gather3A_306 = arith.constant 0 : i32
        %gather3A_307 = tpu.memref_slice %arg6[%rem3A_15, %gather3A_305, %gather3A_306] : memref<2x16x2048xf32, #tpu.memory_space<vmem>> -> memref<1x16x2048xf32, #tpu.memory_space<vmem>>
        %gather3A_308 = tpu.memref_squeeze %gather3A_307 : memref<1x16x2048xf32, #tpu.memory_space<vmem>> -> memref<16x2048xf32, #tpu.memory_space<vmem>>
        %gather3A_309 = tpu.vector_load_idx %gather3A_308[%iota3A, %broadcast_in_dim3A_304] : memref<16x2048xf32, #tpu.memory_space<vmem>>[vector<16xi32>, vector<16xi32>], vector<16xf32>,
        %mul3A_310 = arith.constant 16 : i32
        %mul3A_311 = arith.muli %sub3A_14, %mul3A_310 : i32
        %add3A_312 = arith.constant 4 : i32
        %add3A_313 = arith.addi %mul3A_311, %add3A_312 : i32
        %broadcast_in_dim3A_314 = vector.broadcast %add3A_313 : i32 to vector<16xi32>
        tpu.vector_store_idx %arg7[%iota3A, %broadcast_in_dim3A_314], %gather3A_309 : memref<16x512xf32, #tpu.memory_space<vmem>>[vector<16xi32>, vector<16xi32>], vector<16xf32>,
        %slice3A_315 = vector.extract_strided_slice %and3A_20 {offsets = [5], sizes = [1], strides = [1]} : vector<16xi32> to vector<1xi32>
        %squeeze3A_316 = vector.extract %slice3A_315[0] : i32 from vector<1xi32>
        %add3A_317 = arith.constant 640 : i32
        %add3A_318 = arith.addi %squeeze3A_316, %add3A_317 : i32
        %broadcast_in_dim3A_319 = vector.broadcast %add3A_318 : i32 to vector<16xi32>
        %gather3A_320 = arith.constant 0 : i32
        %gather3A_321 = arith.constant 0 : i32
        %gather3A_322 = tpu.memref_slice %arg6[%rem3A_15, %gather3A_320, %gather3A_321] : memref<2x16x2048xf32, #tpu.memory_space<vmem>> -> memref<1x16x2048xf32, #tpu.memory_space<vmem>>
        %gather3A_323 = tpu.memref_squeeze %gather3A_322 : memref<1x16x2048xf32, #tpu.memory_space<vmem>> -> memref<16x2048xf32, #tpu.memory_space<vmem>>
        %gather3A_324 = tpu.vector_load_idx %gather3A_323[%iota3A, %broadcast_in_dim3A_319] : memref<16x2048xf32, #tpu.memory_space<vmem>>[vector<16xi32>, vector<16xi32>], vector<16xf32>,
        %mul3A_325 = arith.constant 16 : i32
        %mul3A_326 = arith.muli %sub3A_14, %mul3A_325 : i32
        %add3A_327 = arith.constant 5 : i32
        %add3A_328 = arith.addi %mul3A_326, %add3A_327 : i32
        %broadcast_in_dim3A_329 = vector.broadcast %add3A_328 : i32 to vector<16xi32>
        tpu.vector_store_idx %arg7[%iota3A, %broadcast_in_dim3A_329], %gather3A_324 : memref<16x512xf32, #tpu.memory_space<vmem>>[vector<16xi32>, vector<16xi32>], vector<16xf32>,
        %slice3A_330 = vector.extract_strided_slice %and3A_20 {offsets = [6], sizes = [1], strides = [1]} : vector<16xi32> to vector<1xi32>
        %squeeze3A_331 = vector.extract %slice3A_330[0] : i32 from vector<1xi32>
        %add3A_332 = arith.constant 768 : i32
        %add3A_333 = arith.addi %squeeze3A_331, %add3A_332 : i32
        %broadcast_in_dim3A_334 = vector.broadcast %add3A_333 : i32 to vector<16xi32>
        %gather3A_335 = arith.constant 0 : i32
        %gather3A_336 = arith.constant 0 : i32
        %gather3A_337 = tpu.memref_slice %arg6[%rem3A_15, %gather3A_335, %gather3A_336] : memref<2x16x2048xf32, #tpu.memory_space<vmem>> -> memref<1x16x2048xf32, #tpu.memory_space<vmem>>
        %gather3A_338 = tpu.memref_squeeze %gather3A_337 : memref<1x16x2048xf32, #tpu.memory_space<vmem>> -> memref<16x2048xf32, #tpu.memory_space<vmem>>
        %gather3A_339 = tpu.vector_load_idx %gather3A_338[%iota3A, %broadcast_in_dim3A_334] : memref<16x2048xf32, #tpu.memory_space<vmem>>[vector<16xi32>, vector<16xi32>], vector<16xf32>,
        %mul3A_340 = arith.constant 16 : i32
        %mul3A_341 = arith.muli %sub3A_14, %mul3A_340 : i32
        %add3A_342 = arith.constant 6 : i32
        %add3A_343 = arith.addi %mul3A_341, %add3A_342 : i32
        %broadcast_in_dim3A_344 = vector.broadcast %add3A_343 : i32 to vector<16xi32>
        tpu.vector_store_idx %arg7[%iota3A, %broadcast_in_dim3A_344], %gather3A_339 : memref<16x512xf32, #tpu.memory_space<vmem>>[vector<16xi32>, vector<16xi32>], vector<16xf32>,
        %slice3A_345 = vector.extract_strided_slice %and3A_20 {offsets = [7], sizes = [1], strides = [1]} : vector<16xi32> to vector<1xi32>
        %squeeze3A_346 = vector.extract %slice3A_345[0] : i32 from vector<1xi32>
        %add3A_347 = arith.constant 896 : i32
        %add3A_348 = arith.addi %squeeze3A_346, %add3A_347 : i32
        %broadcast_in_dim3A_349 = vector.broadcast %add3A_348 : i32 to vector<16xi32>
        %gather3A_350 = arith.constant 0 : i32
        %gather3A_351 = arith.constant 0 : i32
        %gather3A_352 = tpu.memref_slice %arg6[%rem3A_15, %gather3A_350, %gather3A_351] : memref<2x16x2048xf32, #tpu.memory_space<vmem>> -> memref<1x16x2048xf32, #tpu.memory_space<vmem>>
        %gather3A_353 = tpu.memref_squeeze %gather3A_352 : memref<1x16x2048xf32, #tpu.memory_space<vmem>> -> memref<16x2048xf32, #tpu.memory_space<vmem>>
        %gather3A_354 = tpu.vector_load_idx %gather3A_353[%iota3A, %broadcast_in_dim3A_349] : memref<16x2048xf32, #tpu.memory_space<vmem>>[vector<16xi32>, vector<16xi32>], vector<16xf32>,
        %mul3A_355 = arith.constant 16 : i32
        %mul3A_356 = arith.muli %sub3A_14, %mul3A_355 : i32
        %add3A_357 = arith.constant 7 : i32
        %add3A_358 = arith.addi %mul3A_356, %add3A_357 : i32
        %broadcast_in_dim3A_359 = vector.broadcast %add3A_358 : i32 to vector<16xi32>
        tpu.vector_store_idx %arg7[%iota3A, %broadcast_in_dim3A_359], %gather3A_354 : memref<16x512xf32, #tpu.memory_space<vmem>>[vector<16xi32>, vector<16xi32>], vector<16xf32>,
        %slice3A_360 = vector.extract_strided_slice %and3A_20 {offsets = [8], sizes = [1], strides = [1]} : vector<16xi32> to vector<1xi32>
        %squeeze3A_361 = vector.extract %slice3A_360[0] : i32 from vector<1xi32>
        %add3A_362 = arith.constant 1024 : i32
        %add3A_363 = arith.addi %squeeze3A_361, %add3A_362 : i32
        %broadcast_in_dim3A_364 = vector.broadcast %add3A_363 : i32 to vector<16xi32>
        %gather3A_365 = arith.constant 0 : i32
        %gather3A_366 = arith.constant 0 : i32
        %gather3A_367 = tpu.memref_slice %arg6[%rem3A_15, %gather3A_365, %gather3A_366] : memref<2x16x2048xf32, #tpu.memory_space<vmem>> -> memref<1x16x2048xf32, #tpu.memory_space<vmem>>
        %gather3A_368 = tpu.memref_squeeze %gather3A_367 : memref<1x16x2048xf32, #tpu.memory_space<vmem>> -> memref<16x2048xf32, #tpu.memory_space<vmem>>
        %gather3A_369 = tpu.vector_load_idx %gather3A_368[%iota3A, %broadcast_in_dim3A_364] : memref<16x2048xf32, #tpu.memory_space<vmem>>[vector<16xi32>, vector<16xi32>], vector<16xf32>,
        %mul3A_370 = arith.constant 16 : i32
        %mul3A_371 = arith.muli %sub3A_14, %mul3A_370 : i32
        %add3A_372 = arith.constant 8 : i32
        %add3A_373 = arith.addi %mul3A_371, %add3A_372 : i32
        %broadcast_in_dim3A_374 = vector.broadcast %add3A_373 : i32 to vector<16xi32>
        tpu.vector_store_idx %arg7[%iota3A, %broadcast_in_dim3A_374], %gather3A_369 : memref<16x512xf32, #tpu.memory_space<vmem>>[vector<16xi32>, vector<16xi32>], vector<16xf32>,
        %slice3A_375 = vector.extract_strided_slice %and3A_20 {offsets = [9], sizes = [1], strides = [1]} : vector<16xi32> to vector<1xi32>
        %squeeze3A_376 = vector.extract %slice3A_375[0] : i32 from vector<1xi32>
        %add3A_377 = arith.constant 1152 : i32
        %add3A_378 = arith.addi %squeeze3A_376, %add3A_377 : i32
        %broadcast_in_dim3A_379 = vector.broadcast %add3A_378 : i32 to vector<16xi32>
        %gather3A_380 = arith.constant 0 : i32
        %gather3A_381 = arith.constant 0 : i32
        %gather3A_382 = tpu.memref_slice %arg6[%rem3A_15, %gather3A_380, %gather3A_381] : memref<2x16x2048xf32, #tpu.memory_space<vmem>> -> memref<1x16x2048xf32, #tpu.memory_space<vmem>>
        %gather3A_383 = tpu.memref_squeeze %gather3A_382 : memref<1x16x2048xf32, #tpu.memory_space<vmem>> -> memref<16x2048xf32, #tpu.memory_space<vmem>>
        %gather3A_384 = tpu.vector_load_idx %gather3A_383[%iota3A, %broadcast_in_dim3A_379] : memref<16x2048xf32, #tpu.memory_space<vmem>>[vector<16xi32>, vector<16xi32>], vector<16xf32>,
        %mul3A_385 = arith.constant 16 : i32
        %mul3A_386 = arith.muli %sub3A_14, %mul3A_385 : i32
        %add3A_387 = arith.constant 9 : i32
        %add3A_388 = arith.addi %mul3A_386, %add3A_387 : i32
        %broadcast_in_dim3A_389 = vector.broadcast %add3A_388 : i32 to vector<16xi32>
        tpu.vector_store_idx %arg7[%iota3A, %broadcast_in_dim3A_389], %gather3A_384 : memref<16x512xf32, #tpu.memory_space<vmem>>[vector<16xi32>, vector<16xi32>], vector<16xf32>,
        %slice3A_390 = vector.extract_strided_slice %and3A_20 {offsets = [10], sizes = [1], strides = [1]} : vector<16xi32> to vector<1xi32>
        %squeeze3A_391 = vector.extract %slice3A_390[0] : i32 from vector<1xi32>
        %add3A_392 = arith.constant 1280 : i32
        %add3A_393 = arith.addi %squeeze3A_391, %add3A_392 : i32
        %broadcast_in_dim3A_394 = vector.broadcast %add3A_393 : i32 to vector<16xi32>
        %gather3A_395 = arith.constant 0 : i32
        %gather3A_396 = arith.constant 0 : i32
        %gather3A_397 = tpu.memref_slice %arg6[%rem3A_15, %gather3A_395, %gather3A_396] : memref<2x16x2048xf32, #tpu.memory_space<vmem>> -> memref<1x16x2048xf32, #tpu.memory_space<vmem>>
        %gather3A_398 = tpu.memref_squeeze %gather3A_397 : memref<1x16x2048xf32, #tpu.memory_space<vmem>> -> memref<16x2048xf32, #tpu.memory_space<vmem>>
        %gather3A_399 = tpu.vector_load_idx %gather3A_398[%iota3A, %broadcast_in_dim3A_394] : memref<16x2048xf32, #tpu.memory_space<vmem>>[vector<16xi32>, vector<16xi32>], vector<16xf32>,
        %mul3A_400 = arith.constant 16 : i32
        %mul3A_401 = arith.muli %sub3A_14, %mul3A_400 : i32
        %add3A_402 = arith.constant 10 : i32
        %add3A_403 = arith.addi %mul3A_401, %add3A_402 : i32
        %broadcast_in_dim3A_404 = vector.broadcast %add3A_403 : i32 to vector<16xi32>
        tpu.vector_store_idx %arg7[%iota3A, %broadcast_in_dim3A_404], %gather3A_399 : memref<16x512xf32, #tpu.memory_space<vmem>>[vector<16xi32>, vector<16xi32>], vector<16xf32>,
        %slice3A_405 = vector.extract_strided_slice %and3A_20 {offsets = [11], sizes = [1], strides = [1]} : vector<16xi32> to vector<1xi32>
        %squeeze3A_406 = vector.extract %slice3A_405[0] : i32 from vector<1xi32>
        %add3A_407 = arith.constant 1408 : i32
        %add3A_408 = arith.addi %squeeze3A_406, %add3A_407 : i32
        %broadcast_in_dim3A_409 = vector.broadcast %add3A_408 : i32 to vector<16xi32>
        %gather3A_410 = arith.constant 0 : i32
        %gather3A_411 = arith.constant 0 : i32
        %gather3A_412 = tpu.memref_slice %arg6[%rem3A_15, %gather3A_410, %gather3A_411] : memref<2x16x2048xf32, #tpu.memory_space<vmem>> -> memref<1x16x2048xf32, #tpu.memory_space<vmem>>
        %gather3A_413 = tpu.memref_squeeze %gather3A_412 : memref<1x16x2048xf32, #tpu.memory_space<vmem>> -> memref<16x2048xf32, #tpu.memory_space<vmem>>
        %gather3A_414 = tpu.vector_load_idx %gather3A_413[%iota3A, %broadcast_in_dim3A_409] : memref<16x2048xf32, #tpu.memory_space<vmem>>[vector<16xi32>, vector<16xi32>], vector<16xf32>,
        %mul3A_415 = arith.constant 16 : i32
        %mul3A_416 = arith.muli %sub3A_14, %mul3A_415 : i32
        %add3A_417 = arith.constant 11 : i32
        %add3A_418 = arith.addi %mul3A_416, %add3A_417 : i32
        %broadcast_in_dim3A_419 = vector.broadcast %add3A_418 : i32 to vector<16xi32>
        tpu.vector_store_idx %arg7[%iota3A, %broadcast_in_dim3A_419], %gather3A_414 : memref<16x512xf32, #tpu.memory_space<vmem>>[vector<16xi32>, vector<16xi32>], vector<16xf32>,
        %slice3A_420 = vector.extract_strided_slice %and3A_20 {offsets = [12], sizes = [1], strides = [1]} : vector<16xi32> to vector<1xi32>
        %squeeze3A_421 = vector.extract %slice3A_420[0] : i32 from vector<1xi32>
        %add3A_422 = arith.constant 1536 : i32
        %add3A_423 = arith.addi %squeeze3A_421, %add3A_422 : i32
        %broadcast_in_dim3A_424 = vector.broadcast %add3A_423 : i32 to vector<16xi32>
        %gather3A_425 = arith.constant 0 : i32
        %gather3A_426 = arith.constant 0 : i32
        %gather3A_427 = tpu.memref_slice %arg6[%rem3A_15, %gather3A_425, %gather3A_426] : memref<2x16x2048xf32, #tpu.memory_space<vmem>> -> memref<1x16x2048xf32, #tpu.memory_space<vmem>>
        %gather3A_428 = tpu.memref_squeeze %gather3A_427 : memref<1x16x2048xf32, #tpu.memory_space<vmem>> -> memref<16x2048xf32, #tpu.memory_space<vmem>>
        %gather3A_429 = tpu.vector_load_idx %gather3A_428[%iota3A, %broadcast_in_dim3A_424] : memref<16x2048xf32, #tpu.memory_space<vmem>>[vector<16xi32>, vector<16xi32>], vector<16xf32>,
        %mul3A_430 = arith.constant 16 : i32
        %mul3A_431 = arith.muli %sub3A_14, %mul3A_430 : i32
        %add3A_432 = arith.constant 12 : i32
        %add3A_433 = arith.addi %mul3A_431, %add3A_432 : i32
        %broadcast_in_dim3A_434 = vector.broadcast %add3A_433 : i32 to vector<16xi32>
        tpu.vector_store_idx %arg7[%iota3A, %broadcast_in_dim3A_434], %gather3A_429 : memref<16x512xf32, #tpu.memory_space<vmem>>[vector<16xi32>, vector<16xi32>], vector<16xf32>,
        %slice3A_435 = vector.extract_strided_slice %and3A_20 {offsets = [13], sizes = [1], strides = [1]} : vector<16xi32> to vector<1xi32>
        %squeeze3A_436 = vector.extract %slice3A_435[0] : i32 from vector<1xi32>
        %add3A_437 = arith.constant 1664 : i32
        %add3A_438 = arith.addi %squeeze3A_436, %add3A_437 : i32
        %broadcast_in_dim3A_439 = vector.broadcast %add3A_438 : i32 to vector<16xi32>
        %gather3A_440 = arith.constant 0 : i32
        %gather3A_441 = arith.constant 0 : i32
        %gather3A_442 = tpu.memref_slice %arg6[%rem3A_15, %gather3A_440, %gather3A_441] : memref<2x16x2048xf32, #tpu.memory_space<vmem>> -> memref<1x16x2048xf32, #tpu.memory_space<vmem>>
        %gather3A_443 = tpu.memref_squeeze %gather3A_442 : memref<1x16x2048xf32, #tpu.memory_space<vmem>> -> memref<16x2048xf32, #tpu.memory_space<vmem>>
        %gather3A_444 = tpu.vector_load_idx %gather3A_443[%iota3A, %broadcast_in_dim3A_439] : memref<16x2048xf32, #tpu.memory_space<vmem>>[vector<16xi32>, vector<16xi32>], vector<16xf32>,
        %mul3A_445 = arith.constant 16 : i32
        %mul3A_446 = arith.muli %sub3A_14, %mul3A_445 : i32
        %add3A_447 = arith.constant 13 : i32
        %add3A_448 = arith.addi %mul3A_446, %add3A_447 : i32
        %broadcast_in_dim3A_449 = vector.broadcast %add3A_448 : i32 to vector<16xi32>
        tpu.vector_store_idx %arg7[%iota3A, %broadcast_in_dim3A_449], %gather3A_444 : memref<16x512xf32, #tpu.memory_space<vmem>>[vector<16xi32>, vector<16xi32>], vector<16xf32>,
        %slice3A_450 = vector.extract_strided_slice %and3A_20 {offsets = [14], sizes = [1], strides = [1]} : vector<16xi32> to vector<1xi32>
        %squeeze3A_451 = vector.extract %slice3A_450[0] : i32 from vector<1xi32>
        %add3A_452 = arith.constant 1792 : i32
        %add3A_453 = arith.addi %squeeze3A_451, %add3A_452 : i32
        %broadcast_in_dim3A_454 = vector.broadcast %add3A_453 : i32 to vector<16xi32>
        %gather3A_455 = arith.constant 0 : i32
        %gather3A_456 = arith.constant 0 : i32
        %gather3A_457 = tpu.memref_slice %arg6[%rem3A_15, %gather3A_455, %gather3A_456] : memref<2x16x2048xf32, #tpu.memory_space<vmem>> -> memref<1x16x2048xf32, #tpu.memory_space<vmem>>
        %gather3A_458 = tpu.memref_squeeze %gather3A_457 : memref<1x16x2048xf32, #tpu.memory_space<vmem>> -> memref<16x2048xf32, #tpu.memory_space<vmem>>
        %gather3A_459 = tpu.vector_load_idx %gather3A_458[%iota3A, %broadcast_in_dim3A_454] : memref<16x2048xf32, #tpu.memory_space<vmem>>[vector<16xi32>, vector<16xi32>], vector<16xf32>,
        %mul3A_460 = arith.constant 16 : i32
        %mul3A_461 = arith.muli %sub3A_14, %mul3A_460 : i32
        %add3A_462 = arith.constant 14 : i32
        %add3A_463 = arith.addi %mul3A_461, %add3A_462 : i32
        %broadcast_in_dim3A_464 = vector.broadcast %add3A_463 : i32 to vector<16xi32>
        tpu.vector_store_idx %arg7[%iota3A, %broadcast_in_dim3A_464], %gather3A_459 : memref<16x512xf32, #tpu.memory_space<vmem>>[vector<16xi32>, vector<16xi32>], vector<16xf32>,
        %slice3A_465 = vector.extract_strided_slice %and3A_20 {offsets = [15], sizes = [1], strides = [1]} : vector<16xi32> to vector<1xi32>
        %squeeze3A_466 = vector.extract %slice3A_465[0] : i32 from vector<1xi32>
        %add3A_467 = arith.constant 1920 : i32
        %add3A_468 = arith.addi %squeeze3A_466, %add3A_467 : i32
        %broadcast_in_dim3A_469 = vector.broadcast %add3A_468 : i32 to vector<16xi32>
        %gather3A_470 = arith.constant 0 : i32
        %gather3A_471 = arith.constant 0 : i32
        %gather3A_472 = tpu.memref_slice %arg6[%rem3A_15, %gather3A_470, %gather3A_471] : memref<2x16x2048xf32, #tpu.memory_space<vmem>> -> memref<1x16x2048xf32, #tpu.memory_space<vmem>>
        %gather3A_473 = tpu.memref_squeeze %gather3A_472 : memref<1x16x2048xf32, #tpu.memory_space<vmem>> -> memref<16x2048xf32, #tpu.memory_space<vmem>>
        %gather3A_474 = tpu.vector_load_idx %gather3A_473[%iota3A, %broadcast_in_dim3A_469] : memref<16x2048xf32, #tpu.memory_space<vmem>>[vector<16xi32>, vector<16xi32>], vector<16xf32>,
        %mul3A_475 = arith.constant 16 : i32
        %mul3A_476 = arith.muli %sub3A_14, %mul3A_475 : i32
        %add3A_477 = arith.constant 15 : i32
        %add3A_478 = arith.addi %mul3A_476, %add3A_477 : i32
        %broadcast_in_dim3A_479 = vector.broadcast %add3A_478 : i32 to vector<16xi32>
        tpu.vector_store_idx %arg7[%iota3A, %broadcast_in_dim3A_479], %gather3A_474 : memref<16x512xf32, #tpu.memory_space<vmem>>[vector<16xi32>, vector<16xi32>], vector<16xf32>,
      } else {
      }
    }
    %scan3A_6 = arith.constant 33 : i32
    "tpu.region"() ({
      %run_scoped3A = tpu.sem_alloc : memref<!tpu.dma_semaphore, #tpu.memory_space<semaphore_mem>>
      %dma_start3A = arith.constant 0 : i32
      %dma_start3A_7 = tpu.memref_slice %arg4[%dma_start3A, %mul3A_2] : memref<16x16384xf32, #tpu.memory_space<hbm>> -> memref<16x512xf32, #tpu.memory_space<hbm>>
      %dma_start3A_8 = arith.constant 0 : i32
      %dma_start3A_9 = tpu.memref_slice %arg4[%dma_start3A_8, %mul3A_2] : memref<16x16384xf32, #tpu.memory_space<hbm>> -> memref<16x512xf32, #tpu.memory_space<hbm>>
      tpu.enqueue_dma source(%arg7 : memref<16x512xf32, #tpu.memory_space<vmem>>) target(%dma_start3A_9 : memref<16x512xf32, #tpu.memory_space<hbm>>) target_semaphore(%run_scoped3A : memref<!tpu.dma_semaphore, #tpu.memory_space<semaphore_mem>>)
      %dma_wait3A = arith.constant 0 : i32
      %dma_wait3A_10 = tpu.memref_slice %arg4[%dma_wait3A, %mul3A_2] : memref<16x16384xf32, #tpu.memory_space<hbm>> -> memref<16x512xf32, #tpu.memory_space<hbm>>
      %dma_wait3A_11 = arith.constant 0 : i32
      %dma_wait3A_12 = tpu.memref_slice %arg4[%dma_wait3A_11, %mul3A_2] : memref<16x16384xf32, #tpu.memory_space<hbm>> -> memref<16x512xf32, #tpu.memory_space<hbm>>
      tpu.wait_dma2 semaphore(%run_scoped3A : memref<!tpu.dma_semaphore, #tpu.memory_space<semaphore_mem>>) src(%arg7 : memref<16x512xf32, #tpu.memory_space<vmem>>) dst(%dma_wait3A_12 : memref<16x512xf32, #tpu.memory_space<hbm>>)
      tpu.yield
    }) : () -> ()
    return
  }
}

</mosaic_0001>

<sc_bundles>
// kernel: kernel.3.cloned.1.call-start
scs
__scs_entry_jumppad:
0x0: {  	(pc) =	sbr.rel $0x88, $3  }
0x1: {  	(tag) =	ssettag $0x0;
	lr =	simm.s32 $0x1  }
0x2: {  	[smem:$0x3F9F] =	sst lr;
	_ =	strace $0xD0000000  }
0x3: {  	_ = 	snop  }
0x4: {  	_ = 	snop  }
0x5: {  	_ = 	snop  }
0x6: {  	_ = 	snop  }
0x7: {  	_ = 	snop  }
__scs_overlays_trampoline_lowered:
0x8: {  	[smem:$0x3FAE] =	sst s0  }
0x9: {  	[smem:$0x3FAF] =	sst s1  }
0xa: {  	[smem:$0x3FB0] =	sst s2  }
0xb: {  	[smem:$0x3FB1] =	sst s3  }
0xc: {  	[smem:$0x3FB2] =	sst s4  }
0xd: {  	[smem:$0x3FB3] =	sst s5  }
0xe: {  	[smem:$0x3FB4] =	sst s6  }
0xf: {  	[smem:$0x3FB5] =	sst s7  }
0x10: {  	[smem:$0x3FB6] =	sst s8  }
0x11: {  	[smem:$0x3FB7] =	sst s9;
	s0 =	simm.s32 @!p0 $0x0  }
0x12: {  	s1 =	sld [smem:$0x3F9D];
	s0 =	simm.s32 @p0 $0x1  }
0x13: {  	[smem:$0x3FB8] =	sst s0;
	s0 =	simm.s32 @!p1 $0x0  }
0x14: {  	s2 =	sld [smem:$0x3F9C];
	s0 =	simm.s32 @p1 $0x1  }
0x15: {  	[smem:$0x3FB9] =	sst s0;
	s0 =	simm.s32 @!p2 $0x0  }
0x16: {  	s3 =	sld [smem:$0x3FDB];
	s0 =	simm.s32 @p2 $0x1  }
0x17: {  	s4 =	simm.s32 $0x1BF5;
	[smem:$0x3FBB] =	sst s0  }
0x18: {  	s0 =	sld [smem:$0x3F9E];
	_ =	swait.ge [sflag:s4], $0x0  }
0x19: {  	s7 =	sld [smem:$0x3F9F]  }
0x1a: {  	s8 =	sadd.s32 $0xFFFFE003, lr  }
0x1b: {  	s9 =	sadd.s32 $0xFFFFFEF7, lr;
	s5 =	simm.s32 $0xFFFFFFFF;
	p2 =	slt.u32 s8, $0xFFFFF086  }
0x1c: {  	p1 =	slt.u32 s9, $0xF7A;
	s5 =	simm.s32 @!p2 $0x0  }
0x1d: {  	s5 =	simm.s32 @p1 $0x1;
	p0 =	seq.s32 s7, s2  }
0x1e: {  	s7 =	smul.u32 @!p0 $0xF7A, s2;
	p2 =	seq.s32 @!p0 s5, $0x0  }
0x1f: {  	s9 =	smul.u32 $0xF7A, s1;
	s8 =	simm.s32 @!p0 $0x1BF5;
	p2 =	por !p2, p0  }
0x20: {  	[sflag:s8] =	ssyncset.s32 @!p0 $0xFFFFF086;
	s6 =	sadd.s32 @!p0 s3, s7;
	s7 =	simm.s32 @!p0 $0x108  }
0x21: {  	s3 =	sadd.s32 s3, s9;
	s6 =	sadd.s32 @!p0 $0x88, s6;
	s7 =	simm.s32 @p2 $0x1082  }
0x22: {  	[simem:s7], [sflag:s8] =	dma.local @!p0 [hbm:s6], $0xF7A  }
0x23: {  	s9 =	sor.u32 $0xD0000000, s2;
	s6 =	simm.s32 $0x108;
	_ =	swait.ge @!p0 [sflag:s8], $0x0  }
0x24: {  	s3 =	sadd.s32 $0x88, s3;
	s6 =	simm.s32 @!p1 $0x1082;
	[sflag:s4] =	ssyncset.s32 $0xFFFFF086  }
0x25: {  	[simem:s6], [sflag:s4] =	dma.local [hbm:s3], $0xF7A  }
0x26: {  	[smem:$0x3F9F] =	sst s1;
	(tag) =	ssettag s2;
	_ =	strace s9  }
0x27: {  	s1 =	sld [smem:$0x3FAF]  }
0x28: {  	s2 =	sld [smem:$0x3FB0]  }
0x29: {  	s4 =	sld [smem:$0x3FB2]  }
0x2a: {  	p0 =	seq.s32 s5, $0x0;
	s5 =	sld [smem:$0x3FB3]  }
0x2b: {  	s6 =	sld [smem:$0x3FB4]  }
0x2c: {  	s7 =	sld [smem:$0x3FB5]  }
0x2d: {  	s3 =	simm.s32 $0x108;
	s8 =	sld [smem:$0x3FB6]  }
0x2e: {  	s3 =	simm.s32 @!p0 $0x1082;
	s9 =	sld [smem:$0x3FB7]  }
0x2f: {  	lr =	sadd.s32 s0, s3;
	s0 =	sld [smem:$0x3FAE]  }
0x30: {  	s3 =	sld [smem:$0x3FB1]  }
0x31: {  	[smem:$0x3FBA] =	sst s10  }
0x32: {  	s10 =	sld [smem:$0x3FB8];
	_ =	sdelay $0x3  }
0x33: {  	p0 =	seq.s32 s10, $0x1;
	s10 =	sld [smem:$0x3FBA];
	_ =	sdelay $0x3  }
0x34: {  	[smem:$0x3FBA] =	sst s10  }
0x35: {  	s10 =	sld [smem:$0x3FB9];
	_ =	sdelay $0x3  }
0x36: {  	p1 =	seq.s32 s10, $0x1;
	s10 =	sld [smem:$0x3FBA];
	_ =	sdelay $0x3  }
0x37: {  	[smem:$0x3FBA] =	sst s10  }
0x38: {  	s10 =	sld [smem:$0x3FBB]  }
0x39: {  	_ = 	snop;
	(pc) =	sbr.ind lr, $3  }
0x3a: {  	_ = 	snop  }
0x3b: {  	_ = 	snop  }
0x3c: {  	p2 =	seq.s32 s10, $0x1;
	s10 =	sld [smem:$0x3FBA]  }
0x3d: {  	_ =	shalt  }
0x3e: {  	_ =	shalt  }
0x3f: {  	_ =	shalt  }
0x40: {  	_ =	shalt  }
0x41: {  	_ =	shalt  }
0x42: {  	_ =	shalt  }
0x43: {  	_ =	shalt  }
0x44: {  	_ =	shalt  }
0x45: {  	_ =	shalt  }
0x46: {  	_ =	shalt  }
0x47: {  	_ =	shalt  }
0x48: {  	_ =	shalt  }
0x49: {  	_ =	shalt  }
0x4a: {  	_ =	shalt  }
0x4b: {  	_ =	shalt  }
0x4c: {  	_ =	shalt  }
0x4d: {  	_ =	shalt  }
0x4e: {  	_ =	shalt  }
0x4f: {  	_ =	shalt  }
0x50: {  	_ =	shalt  }
0x51: {  	_ =	shalt  }
0x52: {  	_ =	shalt  }
0x53: {  	_ =	shalt  }
0x54: {  	_ =	shalt  }
0x55: {  	_ =	shalt  }
0x56: {  	_ =	shalt  }
0x57: {  	_ =	shalt  }
0x58: {  	_ =	shalt  }
0x59: {  	_ =	shalt  }
0x5a: {  	_ =	shalt  }
0x5b: {  	_ =	shalt  }
0x5c: {  	_ =	shalt  }
0x5d: {  	_ =	shalt  }
0x5e: {  	_ =	shalt  }
0x5f: {  	_ =	shalt  }
0x60: {  	_ =	shalt  }
0x61: {  	_ =	shalt  }
0x62: {  	_ =	shalt  }
0x63: {  	_ =	shalt  }
0x64: {  	_ =	shalt  }
0x65: {  	_ =	shalt  }
0x66: {  	_ =	shalt  }
0x67: {  	_ =	shalt  }
0x68: {  	_ =	shalt  }
0x69: {  	_ =	shalt  }
0x6a: {  	_ =	shalt  }
0x6b: {  	_ =	shalt  }
0x6c: {  	_ =	shalt  }
0x6d: {  	_ =	shalt  }
0x6e: {  	_ =	shalt  }
0x6f: {  	_ =	shalt  }
0x70: {  	_ =	shalt  }
0x71: {  	_ =	shalt  }
0x72: {  	_ =	shalt  }
0x73: {  	_ =	shalt  }
0x74: {  	_ =	shalt  }
0x75: {  	_ =	shalt  }
0x76: {  	_ =	shalt  }
0x77: {  	_ =	shalt  }
0x78: {  	_ =	shalt  }
0x79: {  	_ =	shalt  }
0x7a: {  	_ =	shalt  }
0x7b: {  	_ =	shalt  }
0x7c: {  	_ =	shalt  }
0x7d: {  	_ =	shalt  }
0x7e: {  	_ =	shalt  }
0x7f: {  	_ =	shalt  }
0x80: {  	_ =	shalt  }
0x81: {  	_ =	shalt  }
0x82: {  	_ =	shalt  }
0x83: {  	_ =	shalt  }
0x84: {  	_ =	shalt  }
0x85: {  	_ =	shalt  }
0x86: {  	_ =	shalt  }
0x87: {  	_ =	shalt  }
.Lfunc_end0:
.L_simem_size_0:
called_computation_lowered:
.L_overlay_start_0:
0x88: {  	s2 =	sld [smem:$0x3FD9]  }
0x89: {  	s3 =	sld [smem:$0x3FFE];
	_ =	sdelay $0x1  }
0x8a: {  	s1 =	srdreg.scid  }
0x8b: {  	s0 =	sand.u32 $0x1, s1  }
0x8c: {  	s18 =	sshll.u32 s0, $0xA;
	s2 =	sadd.s32 s3, s2  }
0x8d: {  	s2 =	sadd.s32 s2, s18  }
0x8e: {  	[smem:$0x3FC6] =	sst s2  }
0x8f: {  	_ = 	snop  }
0x90: {  	s2 =	sld [smem:$0x3FC9]  }
0x91: {  	s19 =	sld [smem:$0x3FC8]  }
0x92: {  	s4 =	sld [smem:$0x3FD0];
	(tm) =	ssettm $0x1  }
0x93: {  	s5 =	sld [smem:$0x3FFB];
	_ =	sdelay $0x3  }
0x94: {  	_ =	strace s5  }
0x95: {  	s5 =	sld [smem:$0x3FFC];
	_ =	sdelay $0x3  }
0x96: {  	_ =	strace s5  }
0x97: {  	s5 =	sld [smem:$0x3FFD];
	_ =	sdelay $0x3  }
0x98: {  	_ =	strace s5  }
0x99: {  	_ =	strace $0x8FFFFFFF  }
0x9a: {  	s20 =	sld [smem:$0x3FDB];
	_ =	sdelay $0x1  }
0x9b: {  	s6 =	simm.s32 $_scs_section_size  }
0x9c: {  	s7 =	simm.s32 $_size__tile_overlayer_lowered;
	s8 =	simm.s32 $_tile_overlayer_lowered  }
0x9d: {  	s23 =	simm.s32 $0x1BFF;
	s22 =	sshll.u32 s8, $0x1;
	s5 =	sadd.s32 s6, s20  }
0x9e: {  	s9 =	simm.s32 $0x0;
	s21 =	sshll.u32 s7, $0x1;
	s7 =	sadd.s32 s22, s5  }
0x9f: {  	[timem:s9], [sflag:s23] =	dma.local [hbm:s7], s21  }
0xa0: {  	_ =	swait.ge [sflag:s23], s21  }
0xa1: {  	s6 =	ssub.s32 $0x0, s21;
	[sflag:s23] =	ssyncset.done $0x0  }
0xa2: {  	[sflag:s23] =	ssyncadd.s32 s6;
	_ =	sdelay $0x1  }
0xa3: {  	s24 =	simm.s32 $0x1B8B  }
0xa4: {  	_ =	swait.ge [sflag:s24], $0x1  }
0xa5: {  	[sflag:s24] =	ssyncset.done $0x0  }
0xa6: {  	s25 =	simm.s32 $0x1B8E;
	[sflag:s24] =	ssyncadd.s32 $0xFFFFFFFF  }
0xa7: {  	s26 =	simm.s32 $execute0_lowered;
	[smem:$0x3FD2] =	sst s25  }
0xa8: {  	s6 =	sshll.u32 s26, $0x1;
	_ =	strace $0x80000046;
	[dreg:$0x1] =	wrdreg $0xFFFFFFFF  }
0xa9: {  	s28 =	simm.s32 $_size_execute0_lowered;
	s5 =	sadd.s32 s5, s6;
	[dreg:$0x0] =	wrdreg $0x0  }
0xaa: {  	s6 =	sshll.u32 s28, $0x1;
	[dreg:$0x2] =	wrdreg s5  }
0xab: {  	[dreg:$0x3] =	wrdreg s6  }
0xac: {  	[dreg:$0x4] =	wrdreg $0xC0  }
0xad: {  	_ =	task [dreg:s9], $0x5FFFF  }
0xae: {  	[dreg:$0x1] =	wrdreg $0xFFFFFFFF  }
0xaf: {  	[dreg:$0x0] =	wrdreg $0x60  }
0xb0: {  	[dreg:$0x2] =	wrdreg s2  }
0xb1: {  	[dreg:$0x3] =	wrdreg s19  }
0xb2: {  	[dreg:$0x4] =	wrdreg s4  }
0xb3: {  	[dreg:$0x5] =	wrdreg $0x9  }
0xb4: {  	_ =	task.clear_ibuf [dreg:s9], $0x6FFFF;
	_ =	strace $0x90000046  }
0xb5: {  	s29 =	simm.s32 $0x9;
	_ =	strace $0x80000048  }
0xb6: {  	_ =	swait.ge [sflag:s29], $0x1  }
0xb7: {  	[sflag:s29] =	ssyncadd.s32 $0xFFFFFFFF  }
0xb8: {  	_ =	strace $0x90000048  }
0xb9: {  	_ =	sfence  }
0xba: {  	s30 =	sld [smem:$0x0];
	_ =	sdelay $0x2  }
0xbb: {  	s31 =	sshll.u32 s1, $0xD;
	s1 =	sshrl.u32 s1, $0x2  }
0xbc: {  	s3 =	sand.u32 $0x4000, s31;
	s1 =	sadd.s32 s1, s30  }
0xbd: {  	s0 =	sor.u32 s3, s0;
	s1 =	sshll.u32 s1, $0x11  }
0xbe: {  	s0 =	sor.u32 s1, s0  }
0xbf: {  	s0 =	sadd.s32 $0x8F2B, s0  }
0xc0: {  	[sflag:s0] =	ssyncadd.remote.s32 $0x1  }
0xc1: {  	_ =	sfence.sel $0xFFFF  }
0xc2: {  	[dreg:$0x0] =	wrdreg $0xFFFFFFFF;
	(pc) =	sbr.abs _section_cstart, $3  }
0xc3: {  	[dreg:$0x1] =	wrdreg $0xFFFFFFFF  }
0xc4: {  	_ =	task.clear_ibuf [dreg:s9], $0x2FFFF;
	_ =	strace $0x9FFFFFFF  }
0xc5: {  	(tm) =	ssettm $0x7FFFFFFF  }
tec
execute0_lowered:
.L_overlay_start_1:
0x0: {  	(tag) =	ssettag $0x1  }
0x1: {  	v0 =	vimm.s32 $0x4380;
	vm11 =	vcmask $0x300  }
0x2: {  	v1 =	vimm.s32 $0x1380;
	vm12 =	vcmask $0x704;
	vm13 =	vcmask $0xB08  }
0x3: {  	vm14 =	vcmask $0xF0C;
	vm10 =	vcmask $0x1310;
	vm9 =	vcmask $0x1714  }
0x4: {  	vm8 =	vcmask $0x1B18;
	vm7 =	vcmask $0x1F1C;
	vm6 =	vcmask $0x2320  }
0x5: {  	vm5 =	vcmask $0x2724;
	vm4 =	vcmask $0x2B28;
	vm3 =	vcmask $0x2F2C  }
0x6: {  	vm2 =	vcmask $0x3330;
	vm0 =	vcmask $0x3734;
	vm1 =	vcmask $0x3B38  }
0x7: {  	v2 =	vimm.s32 $0x4780;
	v3 =	vimm.s32 $0x4B80;
	v4 =	vimm.s32 $0x4F80  }
0x8: {  	v5 =	vimm.s32 $0x5380;
	v6 =	vimm.s32 $0x5780;
	v7 =	vimm.s32 $0x5B80  }
0x9: {  	v8 =	vimm.s32 $0x5F80;
	v9 =	vimm.s32 $0x6380;
	v10 =	vimm.s32 $0x6780  }
0xa: {  	v11 =	vimm.s32 $0x6B80;
	v12 =	vimm.s32 $0x6F80;
	v13 =	vimm.s32 $0x7380  }
0xb: {  	v14 =	vimm.s32 $0x7780;
	v15 =	vimm.s32 $0x7B80;
	v16 =	vimm.s32 $0x7F80  }
0xc: {  	v0 =	vsel vm11, $0x0, v0;
	v1 =	vsel vm11, $0x0, v1;
	v2 =	vsel vm11, $0x400, v2  }
0xd: {  	v3 =	vsel vm11, $0x800, v3;
	v4 =	vsel vm11, $0xC00, v4;
	v5 =	vsel vm11, $0x1000, v5  }
0xe: {  	v6 =	vsel vm11, $0x1400, v6;
	v7 =	vsel vm11, $0x1800, v7;
	v8 =	vsel vm11, $0x1C00, v8  }
0xf: {  	v9 =	vsel vm11, $0x2000, v9;
	v10 =	vsel vm11, $0x2400, v10;
	v11 =	vsel vm11, $0x2800, v11  }
0x10: {  	v12 =	vsel vm11, $0x2C00, v12;
	v13 =	vsel vm11, $0x3000, v13;
	v14 =	vsel vm11, $0x3400, v14  }
0x11: {  	v15 =	vsel vm11, $0x3800, v15;
	v16 =	vsel vm11, $0x3C00, v16;
	v0 =	vsel vm12, $0x80, v0  }
0x12: {  	v1 =	vsel vm12, $0x80, v1;
	v2 =	vsel vm12, $0x480, v2;
	v3 =	vsel vm12, $0x880, v3  }
0x13: {  	v4 =	vsel vm12, $0xC80, v4;
	v5 =	vsel vm12, $0x1080, v5;
	v6 =	vsel vm12, $0x1480, v6  }
0x14: {  	v7 =	vsel vm12, $0x1880, v7;
	v8 =	vsel vm12, $0x1C80, v8;
	v9 =	vsel vm12, $0x2080, v9  }
0x15: {  	v10 =	vsel vm12, $0x2480, v10;
	v11 =	vsel vm12, $0x2880, v11;
	v12 =	vsel vm12, $0x2C80, v12  }
0x16: {  	v13 =	vsel vm12, $0x3080, v13;
	v14 =	vsel vm12, $0x3480, v14;
	v15 =	vsel vm12, $0x3880, v15  }
0x17: {  	v16 =	vsel vm12, $0x3C80, v16;
	v0 =	vsel vm13, $0x100, v0;
	v1 =	vsel vm13, $0x100, v1  }
0x18: {  	v2 =	vsel vm13, $0x500, v2;
	v3 =	vsel vm13, $0x900, v3;
	v4 =	vsel vm13, $0xD00, v4  }
0x19: {  	v5 =	vsel vm13, $0x1100, v5;
	v6 =	vsel vm13, $0x1500, v6;
	v7 =	vsel vm13, $0x1900, v7  }
0x1a: {  	v8 =	vsel vm13, $0x1D00, v8;
	v9 =	vsel vm13, $0x2100, v9;
	v10 =	vsel vm13, $0x2500, v10  }
0x1b: {  	v11 =	vsel vm13, $0x2900, v11;
	v12 =	vsel vm13, $0x2D00, v12;
	v13 =	vsel vm13, $0x3100, v13  }
0x1c: {  	v14 =	vsel vm13, $0x3500, v14;
	v15 =	vsel vm13, $0x3900, v15;
	v16 =	vsel vm13, $0x3D00, v16  }
0x1d: {  	v0 =	vsel vm14, $0x180, v0;
	v1 =	vsel vm14, $0x180, v1;
	v2 =	vsel vm14, $0x580, v2  }
0x1e: {  	v3 =	vsel vm14, $0x980, v3;
	v4 =	vsel vm14, $0xD80, v4;
	v5 =	vsel vm14, $0x1180, v5  }
0x1f: {  	v6 =	vsel vm14, $0x1580, v6;
	v7 =	vsel vm14, $0x1980, v7;
	v8 =	vsel vm14, $0x1D80, v8  }
0x20: {  	v9 =	vsel vm14, $0x2180, v9;
	v10 =	vsel vm14, $0x2580, v10;
	v11 =	vsel vm14, $0x2980, v11  }
0x21: {  	v12 =	vsel vm14, $0x2D80, v12;
	v13 =	vsel vm14, $0x3180, v13;
	v14 =	vsel vm14, $0x3580, v14  }
0x22: {  	v15 =	vsel vm14, $0x3980, v15;
	v16 =	vsel vm14, $0x3D80, v16;
	v0 =	vsel vm10, $0x200, v0  }
0x23: {  	v1 =	vsel vm10, $0x200, v1;
	v2 =	vsel vm10, $0x600, v2;
	v3 =	vsel vm10, $0xA00, v3  }
0x24: {  	v4 =	vsel vm10, $0xE00, v4;
	v5 =	vsel vm10, $0x1200, v5;
	v6 =	vsel vm10, $0x1600, v6  }
0x25: {  	v7 =	vsel vm10, $0x1A00, v7;
	v8 =	vsel vm10, $0x1E00, v8;
	v9 =	vsel vm10, $0x2200, v9  }
0x26: {  	v10 =	vsel vm10, $0x2600, v10;
	v11 =	vsel vm10, $0x2A00, v11;
	v12 =	vsel vm10, $0x2E00, v12  }
0x27: {  	v13 =	vsel vm10, $0x3200, v13;
	v14 =	vsel vm10, $0x3600, v14;
	v15 =	vsel vm10, $0x3A00, v15  }
0x28: {  	v16 =	vsel vm10, $0x3E00, v16;
	v0 =	vsel vm9, $0x280, v0;
	v1 =	vsel vm9, $0x280, v1  }
0x29: {  	v2 =	vsel vm9, $0x680, v2;
	v3 =	vsel vm9, $0xA80, v3;
	v4 =	vsel vm9, $0xE80, v4  }
0x2a: {  	v5 =	vsel vm9, $0x1280, v5;
	v6 =	vsel vm9, $0x1680, v6;
	v7 =	vsel vm9, $0x1A80, v7  }
0x2b: {  	v8 =	vsel vm9, $0x1E80, v8;
	v9 =	vsel vm9, $0x2280, v9;
	v10 =	vsel vm9, $0x2680, v10  }
0x2c: {  	v11 =	vsel vm9, $0x2A80, v11;
	v12 =	vsel vm9, $0x2E80, v12;
	v13 =	vsel vm9, $0x3280, v13  }
0x2d: {  	v14 =	vsel vm9, $0x3680, v14;
	v15 =	vsel vm9, $0x3A80, v15;
	v16 =	vsel vm9, $0x3E80, v16  }
0x2e: {  	v0 =	vsel vm8, $0x300, v0;
	v1 =	vsel vm8, $0x300, v1;
	v2 =	vsel vm8, $0x700, v2  }
0x2f: {  	v3 =	vsel vm8, $0xB00, v3;
	v4 =	vsel vm8, $0xF00, v4;
	v5 =	vsel vm8, $0x1300, v5  }
0x30: {  	v6 =	vsel vm8, $0x1700, v6;
	v7 =	vsel vm8, $0x1B00, v7;
	v8 =	vsel vm8, $0x1F00, v8  }
0x31: {  	v9 =	vsel vm8, $0x2300, v9;
	v10 =	vsel vm8, $0x2700, v10;
	v11 =	vsel vm8, $0x2B00, v11  }
0x32: {  	v12 =	vsel vm8, $0x2F00, v12;
	v13 =	vsel vm8, $0x3300, v13;
	v14 =	vsel vm8, $0x3700, v14  }
0x33: {  	v15 =	vsel vm8, $0x3B00, v15;
	v16 =	vsel vm8, $0x3F00, v16;
	v0 =	vsel vm7, $0x380, v0  }
0x34: {  	v1 =	vsel vm7, $0x380, v1;
	v2 =	vsel vm7, $0x780, v2;
	v3 =	vsel vm7, $0xB80, v3  }
0x35: {  	v4 =	vsel vm7, $0xF80, v4;
	v5 =	vsel vm7, $0x1380, v5;
	v6 =	vsel vm7, $0x1780, v6  }
0x36: {  	v7 =	vsel vm7, $0x1B80, v7;
	v8 =	vsel vm7, $0x1F80, v8;
	v9 =	vsel vm7, $0x2380, v9  }
0x37: {  	v10 =	vsel vm7, $0x2780, v10;
	v11 =	vsel vm7, $0x2B80, v11;
	v12 =	vsel vm7, $0x2F80, v12  }
0x38: {  	v13 =	vsel vm7, $0x3380, v13;
	v14 =	vsel vm7, $0x3780, v14;
	v15 =	vsel vm7, $0x3B80, v15  }
0x39: {  	v16 =	vsel vm7, $0x3F80, v16;
	v0 =	vsel vm6, $0x4000, v0;
	v1 =	vsel vm6, $0x1000, v1  }
0x3a: {  	v2 =	vsel vm6, $0x4400, v2;
	v3 =	vsel vm6, $0x4800, v3;
	v4 =	vsel vm6, $0x4C00, v4  }
0x3b: {  	v5 =	vsel vm6, $0x5000, v5;
	v6 =	vsel vm6, $0x5400, v6;
	v7 =	vsel vm6, $0x5800, v7  }
0x3c: {  	v8 =	vsel vm6, $0x5C00, v8;
	v9 =	vsel vm6, $0x6000, v9;
	v10 =	vsel vm6, $0x6400, v10  }
0x3d: {  	v11 =	vsel vm6, $0x6800, v11;
	v12 =	vsel vm6, $0x6C00, v12;
	v13 =	vsel vm6, $0x7000, v13  }
0x3e: {  	v14 =	vsel vm6, $0x7400, v14;
	v15 =	vsel vm6, $0x7800, v15;
	v16 =	vsel vm6, $0x7C00, v16  }
0x3f: {  	v0 =	vsel vm5, $0x4080, v0;
	v1 =	vsel vm5, $0x1080, v1;
	v2 =	vsel vm5, $0x4480, v2  }
0x40: {  	v3 =	vsel vm5, $0x4880, v3;
	v4 =	vsel vm5, $0x4C80, v4;
	v5 =	vsel vm5, $0x5080, v5  }
0x41: {  	v6 =	vsel vm5, $0x5480, v6;
	v7 =	vsel vm5, $0x5880, v7;
	v8 =	vsel vm5, $0x5C80, v8  }
0x42: {  	v9 =	vsel vm5, $0x6080, v9;
	v10 =	vsel vm5, $0x6480, v10;
	v11 =	vsel vm5, $0x6880, v11  }
0x43: {  	v12 =	vsel vm5, $0x6C80, v12;
	v13 =	vsel vm5, $0x7080, v13;
	v14 =	vsel vm5, $0x7480, v14  }
0x44: {  	v15 =	vsel vm5, $0x7880, v15;
	v16 =	vsel vm5, $0x7C80, v16;
	v0 =	vsel vm4, $0x4100, v0  }
0x45: {  	v1 =	vsel vm4, $0x1100, v1;
	v2 =	vsel vm4, $0x4500, v2;
	v3 =	vsel vm4, $0x4900, v3  }
0x46: {  	v4 =	vsel vm4, $0x4D00, v4;
	v5 =	vsel vm4, $0x5100, v5;
	v6 =	vsel vm4, $0x5500, v6  }
0x47: {  	v7 =	vsel vm4, $0x5900, v7;
	v8 =	vsel vm4, $0x5D00, v8;
	v9 =	vsel vm4, $0x6100, v9  }
0x48: {  	v10 =	vsel vm4, $0x6500, v10;
	v11 =	vsel vm4, $0x6900, v11;
	v12 =	vsel vm4, $0x6D00, v12  }
0x49: {  	v13 =	vsel vm4, $0x7100, v13;
	v14 =	vsel vm4, $0x7500, v14;
	v15 =	vsel vm4, $0x7900, v15  }
0x4a: {  	v16 =	vsel vm4, $0x7D00, v16;
	v0 =	vsel vm3, $0x4180, v0;
	v1 =	vsel vm3, $0x1180, v1  }
0x4b: {  	v2 =	vsel vm3, $0x4580, v2;
	v3 =	vsel vm3, $0x4980, v3;
	v4 =	vsel vm3, $0x4D80, v4  }
0x4c: {  	v5 =	vsel vm3, $0x5180, v5;
	v6 =	vsel vm3, $0x5580, v6;
	v7 =	vsel vm3, $0x5980, v7  }
0x4d: {  	v8 =	vsel vm3, $0x5D80, v8;
	v9 =	vsel vm3, $0x6180, v9;
	v10 =	vsel vm3, $0x6580, v10  }
0x4e: {  	v11 =	vsel vm3, $0x6980, v11;
	v12 =	vsel vm3, $0x6D80, v12;
	v13 =	vsel vm3, $0x7180, v13  }
0x4f: {  	v14 =	vsel vm3, $0x7580, v14;
	v15 =	vsel vm3, $0x7980, v15;
	v16 =	vsel vm3, $0x7D80, v16  }
0x50: {  	v0 =	vsel vm2, $0x4200, v0;
	v1 =	vsel vm2, $0x1200, v1;
	v2 =	vsel vm2, $0x4600, v2  }
0x51: {  	v3 =	vsel vm2, $0x4A00, v3;
	v4 =	vsel vm2, $0x4E00, v4;
	v5 =	vsel vm2, $0x5200, v5  }
0x52: {  	v6 =	vsel vm2, $0x5600, v6;
	v7 =	vsel vm2, $0x5A00, v7;
	v8 =	vsel vm2, $0x5E00, v8  }
0x53: {  	v9 =	vsel vm2, $0x6200, v9;
	v10 =	vsel vm2, $0x6600, v10;
	v11 =	vsel vm2, $0x6A00, v11  }
0x54: {  	v12 =	vsel vm2, $0x6E00, v12;
	v13 =	vsel vm2, $0x7200, v13;
	v14 =	vsel vm2, $0x7600, v14  }
0x55: {  	v15 =	vsel vm2, $0x7A00, v15;
	v16 =	vsel vm2, $0x7E00, v16;
	v0 =	vsel vm0, $0x4280, v0  }
0x56: {  	s4 =	rddreg [dreg:$0x0];
	v1 =	vsel vm0, $0x1280, v1;
	v2 =	vsel vm0, $0x4680, v2;
	v3 =	vsel vm0, $0x4A80, v3  }
0x57: {  	s0 =	rddreg [dreg:$0x1];
	v4 =	vsel vm0, $0x4E80, v4;
	v5 =	vsel vm0, $0x5280, v5;
	v6 =	vsel vm0, $0x5680, v6  }
0x58: {  	s5 =	rddreg [dreg:$0x2];
	v7 =	vsel vm0, $0x5A80, v7;
	v8 =	vsel vm0, $0x5E80, v8;
	v9 =	vsel vm0, $0x6280, v9  }
0x59: {  	s1 =	rddreg [dreg:$0x3];
	s6 =	srdreg.scid;
	s3 =	simm.s32 $0x0;
	v10 =	vsel vm0, $0x6680, v10;
	v11 =	vsel vm0, $0x6A80, v11;
	v12 =	vsel vm0, $0x6E80, v12  }
0x5a: {  	s2 =	stileid.u32;
	s10 =	simm.s32 $0x1000;
	s11 =	simm.s32 $0x20000;
	v13 =	vsel vm0, $0x7280, v13;
	v14 =	vsel vm0, $0x7680, v14;
	v15 =	vsel vm0, $0x7A80, v15  }
0x5b: {  	s12 =	simm.s32 $0x0;
	s6 =	sand.u32 $0x1, s6;
	s8 =	sshll.u32 s2, $0xA;
	v16 =	vsel vm0, $0x7E80, v16;
	v0 =	vsel vm1, $0x4300, v0;
	v1 =	vsel vm1, $0x1300, v1  }
.Ltmp0:
0x5c: {  	s7 =	ssub.s32 $0x2, s6;
	s6 =	sshll.u32 s6, $0x9;
	v2 =	vsel vm1, $0x4700, v2;
	v3 =	vsel vm1, $0x4B00, v3;
	v4 =	vsel vm1, $0x4F00, v4;
	(pc) =	sbr.rel .LBB2_1-.Ltmp0, $4  }
0x5d: {  	[smem:$0x7FF] =	sst s3;
	s9 =	sshrl.u32 s7, $0x1;
	s6 =	sor.u32 s6, s8;
	v5 =	vsel vm1, $0x5300, v5;
	v6 =	vsel vm1, $0x5700, v6;
	v7 =	vsel vm1, $0x5B00, v7  }
0x5e: {  	_ =	strace $0x80000047;
	s7 =	ssub.s32 s7, s9;
	s8 =	sshrl.u32 s6, $0x3;
	v8 =	vsel vm1, $0x5F00, v8;
	v9 =	vsel vm1, $0x6300, v9;
	v10 =	vsel vm1, $0x6700, v10  }
0x5f: {  	s5 =	sadd.s32 s5, s6;
	s9 =	simm.s32 $0x10200;
	s4 =	sadd.s32 s4, s8;
	v11 =	vsel vm1, $0x6B00, v11;
	v12 =	vsel vm1, $0x6F00, v12;
	v13 =	vsel vm1, $0x7300, v13  }
0x60: {  	s6 =	smax.u32 s7, $0x1;
	s7 =	simm.s32 $0x2;
	s8 =	simm.s32 $0x1;
	v14 =	vsel vm1, $0x7700, v14;
	v15 =	vsel vm1, $0x7B00, v15;
	v16 =	vsel vm1, $0x7F00, v16  }
.LBB2_6:
0x61: {  	s12 =	sadd.s32 $0x1, s12  }
0x62: {  	p0 =	sne.s32 s12, s6  }
.Ltmp1:
0x63: {  	_ = 	snop;
	(pc) =	sbr.rel @!p0 .LBB2_7-.Ltmp1, $4  }
0x64: {  	[hbm4b:s5+s10] =	stream.strided.scatter [tilespmem:s9], [sflag:$0x2], $0x2000, s11, s10, $0x38;
	[tilespmem:$0x12200] =	vst v63  }
0x65: {  	_ =	swait.ge [sflag:s7], $0x2000  }
0x66: {  	[sflag:s7] =	ssyncset.done $0x0  }
0x67: {  	[sflag:s7] =	ssyncadd.s32 $0xFFFFE000  }
.LBB2_1:
.Ltmp2:
0x68: {  	(pc) =	sbr.rel .LBB2_2-.Ltmp2, $4  }
0x69: {  	[tilespmem:s3], [sflag:$0x2] =	stream.linear.gather [hbm4b:s4+s3], $0x200, $0x38;
	[tilespmem:$0x12200] =	vst v63  }
0x6a: {  	_ =	swait.ge [sflag:s7], $0x200  }
0x6b: {  	s13 =	simm.s32 $0xFFFFFFF0;
	s14 =	simm.s32 $0xFFFE0000;
	[sflag:s7] =	ssyncset.done $0x0  }
0x6c: {  	s15 =	simm.s32 $0x0;
	s16 =	simm.s32 $0x0;
	[sflag:s7] =	ssyncadd.s32 $0xFFFFFE00  }
.LBB2_4:
0x6d: {  	v17 =	vld [tilespmem:s15+$0xFFFFFFF0];
	_ =	swait.ge [sflag:s8], $0x800  }
0x6e: {  	[sflag:s8] =	ssyncset.done $0x0  }
0x6f: {  	[sflag:s8] =	ssyncadd.s32 $0xFFFFF800  }
0x70: {  	_ =	swait.ge [sflag:s8], $0x800  }
0x71: {  	[sflag:s8] =	ssyncset.done $0x0  }
0x72: {  	[sflag:s8] =	ssyncadd.s32 $0xFFFFF800  }
0x73: {  	_ =	swait.ge [sflag:s8], $0x800  }
0x74: {  	[sflag:s8] =	ssyncset.done $0x0  }
0x75: {  	[sflag:s8] =	ssyncadd.s32 $0xFFFFF800  }
0x76: {  	_ =	swait.ge [sflag:s8], $0x800  }
0x77: {  	[sflag:s8] =	ssyncset.done $0x0  }
0x78: {  	[sflag:s8] =	ssyncadd.s32 $0xFFFFF800  }
0x79: {  	_ =	swait.ge [sflag:s8], $0x800  }
0x7a: {  	[sflag:s8] =	ssyncset.done $0x0  }
0x7b: {  	[sflag:s8] =	ssyncadd.s32 $0xFFFFF800  }
0x7c: {  	_ =	swait.ge [sflag:s8], $0x800  }
0x7d: {  	[sflag:s8] =	ssyncset.done $0x0  }
0x7e: {  	[sflag:s8] =	ssyncadd.s32 $0xFFFFF800  }
0x7f: {  	_ =	swait.ge [sflag:s8], $0x800  }
0x80: {  	[sflag:s8] =	ssyncset.done $0x0  }
0x81: {  	[sflag:s8] =	ssyncadd.s32 $0xFFFFF800  }
0x82: {  	_ =	swait.ge [sflag:s8], $0x800  }
0x83: {  	[sflag:s8] =	ssyncset.done $0x0  }
0x84: {  	[sflag:s8] =	ssyncadd.s32 $0xFFFFF800  }
0x85: {  	_ =	swait.ge [sflag:s8], $0x800  }
0x86: {  	[sflag:s8] =	ssyncset.done $0x0  }
0x87: {  	[sflag:s8] =	ssyncadd.s32 $0xFFFFF800  }
0x88: {  	_ =	swait.ge [sflag:s8], $0x800  }
0x89: {  	[sflag:s8] =	ssyncset.done $0x0  }
0x8a: {  	[sflag:s8] =	ssyncadd.s32 $0xFFFFF800  }
0x8b: {  	_ =	swait.ge [sflag:s8], $0x800  }
0x8c: {  	[sflag:s8] =	ssyncset.done $0x0  }
0x8d: {  	[sflag:s8] =	ssyncadd.s32 $0xFFFFF800  }
0x8e: {  	_ =	swait.ge [sflag:s8], $0x800  }
0x8f: {  	[sflag:s8] =	ssyncset.done $0x0  }
0x90: {  	[sflag:s8] =	ssyncadd.s32 $0xFFFFF800  }
0x91: {  	_ =	swait.ge [sflag:s8], $0x800  }
0x92: {  	[sflag:s8] =	ssyncset.done $0x0  }
0x93: {  	[sflag:s8] =	ssyncadd.s32 $0xFFFFF800  }
0x94: {  	_ =	swait.ge [sflag:s8], $0x800  }
0x95: {  	v17 =	vand.u32 $0x7F, v17;
	[sflag:s8] =	ssyncset.done $0x0  }
0x96: {  	v18 =	vbroadcast v17, $0x0;
	[sflag:s8] =	ssyncadd.s32 $0xFFFFF800  }
0x97: {  	_ =	swait.ge [sflag:s8], $0x800  }
0x98: {  	v18 =	vor.u32 v0, v18;
	[sflag:s8] =	ssyncset.done $0x0  }
0x99: {  	v19 =	vmov s13;
	[sflag:s8] =	ssyncadd.s32 $0xFFFFF800  }
0x9a: {  	s17 =	sand.u32 $0x20000, s14;
	v20 =	vshll.u32 v19, $0x3;
	_ =	swait.ge [sflag:s8], $0x800  }
0x9b: {  	s17 =	sshrl.u32 s17, $0x2;
	v19 =	vand.u32 $0x70, v19;
	v20 =	vand.u32 $0xFFFFFC00, v20;
	[sflag:s8] =	ssyncset.done $0x0  }
0x9c: {  	s17 =	sor.u32 $0x200, s17;
	v19 =	vor.u32 v19, v20;
	v29 =	vbroadcast v17, $0x1;
	[sflag:s8] =	ssyncadd.s32 $0xFFFFF800  }
0x9d: {  	v19 =	vadd.s32 v1, v19;
	v18 =	vld.idx.msk [tilespmem:v18+s17+$0x0], $0xffff  }
0x9e: {  	s18 =	sadd.s32 $0x1, s13;
	v20 =	vor.u32 v2, v29  }
0x9f: {  	v21 =	vmov s18  }
0xa0: {  	v22 =	vshll.u32 v21, $0x3  }
0xa1: {  	v21 =	vand.u32 $0x71, v21;
	v22 =	vand.u32 $0xFFFFFC00, v22  }
0xa2: {  	[tilespmem:v19+s9+$0x0] =	vst.idx.msk $0xffff, v18;
	v18 =	vor.u32 v21, v22;
	v19 =	vbroadcast v17, $0x2  }
0xa3: {  	v20 =	vld.idx.msk [tilespmem:v20+s17+$0x0], $0xffff;
	v18 =	vadd.s32 v1, v18  }
0xa4: {  	s30 =	sadd.s32 $0x2, s13;
	v19 =	vor.u32 v3, v19  }
0xa5: {  	v30 =	vmov s30  }
0xa6: {  	v31 =	vshll.u32 v30, $0x3  }
0xa7: {  	v21 =	vand.u32 $0x72, v30;
	v22 =	vand.u32 $0xFFFFFC00, v31  }
0xa8: {  	v32 =	vbroadcast v17, $0x3;
	[tilespmem:v18+s9+$0x0] =	vst.idx.msk $0xffff, v20;
	v18 =	vor.u32 v21, v22  }
0xa9: {  	v19 =	vld.idx.msk [tilespmem:v19+s17+$0x0], $0xffff;
	v18 =	vadd.s32 v1, v18  }
0xaa: {  	s31 =	sadd.s32 $0x3, s13;
	v20 =	vor.u32 v4, v32  }
0xab: {  	v33 =	vmov s31  }
0xac: {  	v34 =	vshll.u32 v33, $0x3  }
0xad: {  	v21 =	vand.u32 $0x73, v33;
	v22 =	vand.u32 $0xFFFFFC00, v34  }
0xae: {  	[tilespmem:v18+s9+$0x0] =	vst.idx.msk $0xffff, v19;
	v18 =	vor.u32 v21, v22;
	v19 =	vbroadcast v17, $0x4  }
0xaf: {  	v20 =	vld.idx.msk [tilespmem:v20+s17+$0x0], $0xffff;
	v18 =	vadd.s32 v1, v18  }
0xb0: {  	s19 =	sadd.s32 $0x4, s13;
	v19 =	vor.u32 v5, v19  }
0xb1: {  	v35 =	vmov s19  }
0xb2: {  	v36 =	vshll.u32 v35, $0x3  }
0xb3: {  	v21 =	vand.u32 $0x74, v35;
	v22 =	vand.u32 $0xFFFFFC00, v36  }
0xb4: {  	v37 =	vbroadcast v17, $0x5;
	[tilespmem:v18+s9+$0x0] =	vst.idx.msk $0xffff, v20;
	v18 =	vor.u32 v21, v22  }
0xb5: {  	v19 =	vld.idx.msk [tilespmem:v19+s17+$0x0], $0xffff;
	v18 =	vadd.s32 v1, v18  }
0xb6: {  	s20 =	sadd.s32 $0x5, s13;
	v20 =	vor.u32 v6, v37  }
0xb7: {  	v38 =	vmov s20  }
0xb8: {  	v39 =	vshll.u32 v38, $0x3  }
0xb9: {  	v21 =	vand.u32 $0x75, v38;
	v22 =	vand.u32 $0xFFFFFC00, v39  }
0xba: {  	[tilespmem:v18+s9+$0x0] =	vst.idx.msk $0xffff, v19;
	v18 =	vor.u32 v21, v22;
	v19 =	vbroadcast v17, $0x6  }
0xbb: {  	v20 =	vld.idx.msk [tilespmem:v20+s17+$0x0], $0xffff;
	v18 =	vadd.s32 v1, v18  }
0xbc: {  	s21 =	sadd.s32 $0x6, s13;
	v19 =	vor.u32 v7, v19  }
0xbd: {  	v40 =	vmov s21  }
0xbe: {  	v41 =	vshll.u32 v40, $0x3  }
0xbf: {  	v21 =	vand.u32 $0x76, v40;
	v22 =	vand.u32 $0xFFFFFC00, v41  }
0xc0: {  	v42 =	vbroadcast v17, $0x7;
	[tilespmem:v18+s9+$0x0] =	vst.idx.msk $0xffff, v20;
	v18 =	vor.u32 v21, v22  }
0xc1: {  	v19 =	vld.idx.msk [tilespmem:v19+s17+$0x0], $0xffff;
	v18 =	vadd.s32 v1, v18  }
0xc2: {  	s22 =	sadd.s32 $0x7, s13;
	v20 =	vor.u32 v8, v42  }
0xc3: {  	v43 =	vmov s22  }
0xc4: {  	v44 =	vshll.u32 v43, $0x3  }
0xc5: {  	v21 =	vand.u32 $0x77, v43;
	v22 =	vand.u32 $0xFFFFFC00, v44  }
0xc6: {  	[tilespmem:v18+s9+$0x0] =	vst.idx.msk $0xffff, v19;
	v18 =	vor.u32 v21, v22;
	v19 =	vbroadcast v17, $0x8  }
0xc7: {  	v20 =	vld.idx.msk [tilespmem:v20+s17+$0x0], $0xffff;
	v18 =	vadd.s32 v1, v18  }
0xc8: {  	s23 =	sadd.s32 $0x8, s13;
	v19 =	vor.u32 v9, v19  }
0xc9: {  	v45 =	vmov s23  }
0xca: {  	v46 =	vshll.u32 v45, $0x3  }
0xcb: {  	v21 =	vand.u32 $0x78, v45;
	v22 =	vand.u32 $0xFFFFFC00, v46  }
0xcc: {  	v47 =	vbroadcast v17, $0x9;
	[tilespmem:v18+s9+$0x0] =	vst.idx.msk $0xffff, v20;
	v18 =	vor.u32 v21, v22  }
0xcd: {  	v19 =	vld.idx.msk [tilespmem:v19+s17+$0x0], $0xffff;
	v18 =	vadd.s32 v1, v18  }
0xce: {  	s24 =	sadd.s32 $0x9, s13;
	v20 =	vor.u32 v10, v47  }
0xcf: {  	v48 =	vmov s24  }
0xd0: {  	v49 =	vshll.u32 v48, $0x3  }
0xd1: {  	v21 =	vand.u32 $0x79, v48;
	v22 =	vand.u32 $0xFFFFFC00, v49  }
0xd2: {  	[tilespmem:v18+s9+$0x0] =	vst.idx.msk $0xffff, v19;
	v18 =	vor.u32 v21, v22;
	v19 =	vbroadcast v17, $0xA  }
0xd3: {  	v20 =	vld.idx.msk [tilespmem:v20+s17+$0x0], $0xffff;
	v18 =	vadd.s32 v1, v18  }
0xd4: {  	s25 =	sadd.s32 $0xA, s13;
	v19 =	vor.u32 v11, v19  }
0xd5: {  	v50 =	vmov s25  }
0xd6: {  	v51 =	vshll.u32 v50, $0x3  }
0xd7: {  	v21 =	vand.u32 $0x7A, v50;
	v22 =	vand.u32 $0xFFFFFC00, v51  }
0xd8: {  	v52 =	vbroadcast v17, $0xB;
	[tilespmem:v18+s9+$0x0] =	vst.idx.msk $0xffff, v20;
	v18 =	vor.u32 v21, v22  }
0xd9: {  	v19 =	vld.idx.msk [tilespmem:v19+s17+$0x0], $0xffff;
	v18 =	vadd.s32 v1, v18  }
0xda: {  	s26 =	sadd.s32 $0xB, s13;
	v20 =	vor.u32 v12, v52  }
0xdb: {  	v53 =	vmov s26  }
0xdc: {  	v54 =	vshll.u32 v53, $0x3  }
0xdd: {  	v21 =	vand.u32 $0x7B, v53;
	v22 =	vand.u32 $0xFFFFFC00, v54  }
0xde: {  	[tilespmem:v18+s9+$0x0] =	vst.idx.msk $0xffff, v19;
	v18 =	vor.u32 v21, v22;
	v19 =	vbroadcast v17, $0xC  }
0xdf: {  	v20 =	vld.idx.msk [tilespmem:v20+s17+$0x0], $0xffff;
	v18 =	vadd.s32 v1, v18  }
0xe0: {  	s28 =	sadd.s32 $0xC, s13;
	v19 =	vor.u32 v13, v19  }
0xe1: {  	v55 =	vmov s28  }
0xe2: {  	v56 =	vshll.u32 v55, $0x3  }
0xe3: {  	v21 =	vand.u32 $0x7C, v55;
	v22 =	vand.u32 $0xFFFFFC00, v56  }
0xe4: {  	v57 =	vbroadcast v17, $0xD;
	[tilespmem:v18+s9+$0x0] =	vst.idx.msk $0xffff, v20;
	v18 =	vor.u32 v21, v22  }
0xe5: {  	v19 =	vld.idx.msk [tilespmem:v19+s17+$0x0], $0xffff;
	v18 =	vadd.s32 v1, v18  }
0xe6: {  	s29 =	sadd.s32 $0xD, s13;
	v20 =	vor.u32 v14, v57  }
0xe7: {  	v58 =	vmov s29  }
0xe8: {  	v59 =	vshll.u32 v58, $0x3  }
0xe9: {  	v21 =	vand.u32 $0x7D, v58;
	v22 =	vand.u32 $0xFFFFFC00, v59  }
0xea: {  	[tilespmem:v18+s9+$0x0] =	vst.idx.msk $0xffff, v19;
	v18 =	vor.u32 v21, v22;
	v19 =	vbroadcast v17, $0xE  }
0xeb: {  	v20 =	vld.idx.msk [tilespmem:v20+s17+$0x0], $0xffff;
	v18 =	vadd.s32 v1, v18  }
0xec: {  	s30 =	sadd.s32 $0xE, s13;
	v19 =	vor.u32 v15, v19  }
0xed: {  	v60 =	vmov s30  }
0xee: {  	v61 =	vshll.u32 v60, $0x3  }
0xef: {  	v21 =	vand.u32 $0x7E, v60;
	v22 =	vand.u32 $0xFFFFFC00, v61  }
0xf0: {  	v17 =	vbroadcast v17, $0xF;
	[tilespmem:v18+s9+$0x0] =	vst.idx.msk $0xffff, v20;
	v18 =	vor.u32 v21, v22  }
0xf1: {  	v19 =	vld.idx.msk [tilespmem:v19+s17+$0x0], $0xffff;
	v18 =	vadd.s32 v1, v18  }
0xf2: {  	s31 =	sadd.s32 $0xF, s13;
	v17 =	vor.u32 v16, v17  }
0xf3: {  	v62 =	vmov s31  }
0xf4: {  	v63 =	vshll.u32 v62, $0x3  }
0xf5: {  	v20 =	vand.u32 $0x7F, v62;
	v21 =	vand.u32 $0xFFFFFC00, v63  }
0xf6: {  	[tilespmem:v18+s9+$0x0] =	vst.idx.msk $0xffff, v19;
	v18 =	vor.u32 v20, v21  }
0xf7: {  	v17 =	vld.idx.msk [tilespmem:v17+s17+$0x0], $0xffff;
	v18 =	vadd.s32 v1, v18;
	_ =	sdelay $0x4  }
0xf8: {  	[tilespmem:v18+s9+$0x0] =	vst.idx.msk $0xffff, v17  }
.LBB2_5:
0xf9: {  	s13 =	sadd.s32 $0x10, s13  }
0xfa: {  	p0 =	sne.s32 s13, $0x200  }
.Ltmp3:
0xfb: {  	_ = 	snop;
	(pc) =	sbr.rel @!p0 .LBB2_6-.Ltmp3, $2  }
0xfc: {  	_ =	sdelay $0x2  }
0xfd: {  	s16 =	sadd.s32 $0x8000, s16;
	s14 =	sadd.s32 $0x20000, s14;
	s15 =	sadd.s32 $0x10, s15  }
.LBB2_2:
0xfe: {  	p0 =	seq.s32 s13, $0x1F0  }
.Ltmp4:
0xff: {  	_ = 	snop;
	(pc) =	sbr.rel @p0 .LBB2_4-.Ltmp4, $1  }
0x100: {  	_ =	sdelay $0x3  }
0x101: {  	v17 =	vld [tilespmem:s15+$0x0];
	_ =	sdelay $0x4  }
0x102: {  	v17 =	vand.u32 $0xFFFFFF80, v17  }
0x103: {  	v17 =	vadd.s32 s0, v17  }
0x104: {  	(v2sf) =	vpush v17, $0x0;
	_ =	sdelay $0x3  }
0x105: {  	(v2sf) =	vpush v17, $0x1;
	_ =	sdelay $0x3  }
0x106: {  	(v2sf) =	vpush v17, $0x2;
	_ =	sdelay $0x3  }
0x107: {  	(v2sf) =	vpush v17, $0x3;
	_ =	sdelay $0x1  }
0x108: {  	s17 =	sand.u32 $0x8000, s16  }
0x109: {  	s18 =	sor.u32 $0x200, s17;
	s19 =	spop (v2sf)  }
0x10a: {  	(v2sf) =	vpush v17, $0x4;
	[tilespmem:s18], [sflag:$0x1] =	stream.linear.gather [hbm4b:s19+s3], $0x400, $0x38;
	[tilespmem:$0x12200] =	vst v63  }
0x10b: {  	s20 =	sor.u32 $0x4200, s17;
	s19 =	sadd.s32 $0xF4280, s19  }
0x10c: {  	[tilespmem:s20], [sflag:$0x1] =	stream.linear.gather [hbm4b:s19+s3], $0x400, $0x38;
	[tilespmem:$0x12200] =	vst v63  }
0x10d: {  	s21 =	sor.u32 $0x600, s17;
	s22 =	spop (v2sf)  }
0x10e: {  	(v2sf) =	vpush v17, $0x5;
	[tilespmem:s21], [sflag:$0x1] =	stream.linear.gather [hbm4b:s22+s3], $0x400, $0x38;
	[tilespmem:$0x12200] =	vst v63  }
0x10f: {  	s24 =	sor.u32 $0x4600, s17;
	s23 =	sadd.s32 $0xF4280, s22  }
0x110: {  	[tilespmem:s24], [sflag:$0x1] =	stream.linear.gather [hbm4b:s23+s3], $0x400, $0x38;
	[tilespmem:$0x12200] =	vst v63  }
0x111: {  	s25 =	sor.u32 $0xA00, s17;
	s26 =	spop (v2sf)  }
0x112: {  	(v2sf) =	vpush v17, $0x6;
	[tilespmem:s25], [sflag:$0x1] =	stream.linear.gather [hbm4b:s26+s3], $0x400, $0x38;
	[tilespmem:$0x12200] =	vst v63  }
0x113: {  	s29 =	sor.u32 $0x4A00, s17;
	s28 =	sadd.s32 $0xF4280, s26  }
0x114: {  	[tilespmem:s29], [sflag:$0x1] =	stream.linear.gather [hbm4b:s28+s3], $0x400, $0x38;
	[tilespmem:$0x12200] =	vst v63  }
0x115: {  	s30 =	sor.u32 $0xE00, s17;
	s31 =	spop (v2sf)  }
0x116: {  	(v2sf) =	vpush v17, $0x7;
	[tilespmem:s30], [sflag:$0x1] =	stream.linear.gather [hbm4b:s31+s3], $0x400, $0x38;
	[tilespmem:$0x12200] =	vst v63  }
0x117: {  	s20 =	sor.u32 $0x4E00, s17;
	s19 =	sadd.s32 $0xF4280, s31  }
0x118: {  	[tilespmem:s20], [sflag:$0x1] =	stream.linear.gather [hbm4b:s19+s3], $0x400, $0x38;
	[tilespmem:$0x12200] =	vst v63  }
0x119: {  	s21 =	sor.u32 $0x1200, s17;
	s22 =	spop (v2sf)  }
0x11a: {  	(v2sf) =	vpush v17, $0x8;
	[tilespmem:s21], [sflag:$0x1] =	stream.linear.gather [hbm4b:s22+s3], $0x400, $0x38;
	[tilespmem:$0x12200] =	vst v63  }
0x11b: {  	s24 =	sor.u32 $0x5200, s17;
	s23 =	sadd.s32 $0xF4280, s22  }
0x11c: {  	[tilespmem:s24], [sflag:$0x1] =	stream.linear.gather [hbm4b:s23+s3], $0x400, $0x38;
	[tilespmem:$0x12200] =	vst v63  }
0x11d: {  	s25 =	sor.u32 $0x1600, s17;
	s26 =	spop (v2sf)  }
0x11e: {  	(v2sf) =	vpush v17, $0x9;
	[tilespmem:s25], [sflag:$0x1] =	stream.linear.gather [hbm4b:s26+s3], $0x400, $0x38;
	[tilespmem:$0x12200] =	vst v63  }
0x11f: {  	s29 =	sor.u32 $0x5600, s17;
	s28 =	sadd.s32 $0xF4280, s26  }
0x120: {  	[tilespmem:s29], [sflag:$0x1] =	stream.linear.gather [hbm4b:s28+s3], $0x400, $0x38;
	[tilespmem:$0x12200] =	vst v63  }
0x121: {  	s30 =	sor.u32 $0x1A00, s17;
	s31 =	spop (v2sf)  }
0x122: {  	(v2sf) =	vpush v17, $0xA;
	[tilespmem:s30], [sflag:$0x1] =	stream.linear.gather [hbm4b:s31+s3], $0x400, $0x38;
	[tilespmem:$0x12200] =	vst v63  }
0x123: {  	s20 =	sor.u32 $0x5A00, s17;
	s19 =	sadd.s32 $0xF4280, s31  }
0x124: {  	[tilespmem:s20], [sflag:$0x1] =	stream.linear.gather [hbm4b:s19+s3], $0x400, $0x38;
	[tilespmem:$0x12200] =	vst v63  }
0x125: {  	s21 =	sor.u32 $0x1E00, s17;
	s22 =	spop (v2sf)  }
0x126: {  	(v2sf) =	vpush v17, $0xB;
	[tilespmem:s21], [sflag:$0x1] =	stream.linear.gather [hbm4b:s22+s3], $0x400, $0x38;
	[tilespmem:$0x12200] =	vst v63  }
0x127: {  	s23 =	sadd.s32 $0xF4280, s22;
	s24 =	sor.u32 $0x5E00, s17  }
0x128: {  	[tilespmem:s24], [sflag:$0x1] =	stream.linear.gather [hbm4b:s23+s3], $0x400, $0x38;
	[tilespmem:$0x12200] =	vst v63  }
0x129: {  	s25 =	sor.u32 $0x2200, s17;
	s26 =	spop (v2sf)  }
0x12a: {  	(v2sf) =	vpush v17, $0xC;
	[tilespmem:s25], [sflag:$0x1] =	stream.linear.gather [hbm4b:s26+s3], $0x400, $0x38;
	[tilespmem:$0x12200] =	vst v63  }
0x12b: {  	s29 =	sor.u32 $0x6200, s17;
	s28 =	sadd.s32 $0xF4280, s26  }
0x12c: {  	[tilespmem:s29], [sflag:$0x1] =	stream.linear.gather [hbm4b:s28+s3], $0x400, $0x38;
	[tilespmem:$0x12200] =	vst v63  }
0x12d: {  	s30 =	sor.u32 $0x2600, s17;
	s31 =	spop (v2sf)  }
0x12e: {  	(v2sf) =	vpush v17, $0xD;
	[tilespmem:s30], [sflag:$0x1] =	stream.linear.gather [hbm4b:s31+s3], $0x400, $0x38;
	[tilespmem:$0x12200] =	vst v63  }
0x12f: {  	s21 =	sor.u32 $0x6600, s17;
	s20 =	sadd.s32 $0xF4280, s31  }
0x130: {  	[tilespmem:s21], [sflag:$0x1] =	stream.linear.gather [hbm4b:s20+s3], $0x400, $0x38;
	[tilespmem:$0x12200] =	vst v63  }
0x131: {  	s22 =	sor.u32 $0x2A00, s17;
	s23 =	spop (v2sf)  }
0x132: {  	(v2sf) =	vpush v17, $0xE;
	[tilespmem:s22], [sflag:$0x1] =	stream.linear.gather [hbm4b:s23+s3], $0x400, $0x38;
	[tilespmem:$0x12200] =	vst v63  }
0x133: {  	s24 =	sadd.s32 $0xF4280, s23;
	s25 =	sor.u32 $0x6A00, s17  }
0x134: {  	[tilespmem:s25], [sflag:$0x1] =	stream.linear.gather [hbm4b:s24+s3], $0x400, $0x38;
	[tilespmem:$0x12200] =	vst v63  }
0x135: {  	s26 =	sor.u32 $0x2E00, s17;
	s28 =	spop (v2sf)  }
0x136: {  	[tilespmem:s26], [sflag:$0x1] =	stream.linear.gather [hbm4b:s28+s3], $0x400, $0x38;
	[tilespmem:$0x12200] =	vst v63  }
0x137: {  	(v2sf) =	vpush v17, $0xF;
	s29 =	sadd.s32 $0xF4280, s28;
	s30 =	sor.u32 $0x6E00, s17  }
0x138: {  	[tilespmem:s30], [sflag:$0x1] =	stream.linear.gather [hbm4b:s29+s3], $0x400, $0x38;
	[tilespmem:$0x12200] =	vst v63  }
0x139: {  	s20 =	sor.u32 $0x3200, s17;
	s31 =	spop (v2sf)  }
0x13a: {  	[tilespmem:s20], [sflag:$0x1] =	stream.linear.gather [hbm4b:s31+s3], $0x400, $0x38;
	[tilespmem:$0x12200] =	vst v63  }
0x13b: {  	s21 =	sor.u32 $0x7200, s17;
	s18 =	sadd.s32 $0xF4280, s31  }
0x13c: {  	[tilespmem:s21], [sflag:$0x1] =	stream.linear.gather [hbm4b:s18+s3], $0x400, $0x38;
	[tilespmem:$0x12200] =	vst v63  }
0x13d: {  	s23 =	sor.u32 $0x3600, s17;
	s22 =	spop (v2sf)  }
0x13e: {  	[tilespmem:s23], [sflag:$0x1] =	stream.linear.gather [hbm4b:s22+s3], $0x400, $0x38;
	[tilespmem:$0x12200] =	vst v63  }
0x13f: {  	s24 =	sor.u32 $0x7600, s17;
	s18 =	sadd.s32 $0xF4280, s22  }
0x140: {  	[tilespmem:s24], [sflag:$0x1] =	stream.linear.gather [hbm4b:s18+s3], $0x400, $0x38;
	[tilespmem:$0x12200] =	vst v63  }
0x141: {  	s26 =	sor.u32 $0x3A00, s17;
	s25 =	spop (v2sf)  }
0x142: {  	[tilespmem:s26], [sflag:$0x1] =	stream.linear.gather [hbm4b:s25+s3], $0x400, $0x38;
	[tilespmem:$0x12200] =	vst v63  }
0x143: {  	p0 =	seq.s32 s13, $0xFFFFFFF0;
	s28 =	sor.u32 $0x7A00, s17;
	s18 =	sadd.s32 $0xF4280, s25  }
0x144: {  	[tilespmem:s28], [sflag:$0x1] =	stream.linear.gather [hbm4b:s18+s3], $0x400, $0x38;
	[tilespmem:$0x12200] =	vst v63  }
.Ltmp5:
0x145: {  	_ = 	snop;
	(pc) =	sbr.rel @p0 .LBB2_5-.Ltmp5, $4  }
.Ltmp6:
0x146: {  	s29 =	sor.u32 $0x3E00, s17;
	s30 =	spop (v2sf);
	(pc) =	sbr.rel @!p0 .LBB2_4-.Ltmp6, $4  }
0x147: {  	[tilespmem:s29], [sflag:$0x1] =	stream.linear.gather [hbm4b:s30+s3], $0x400, $0x38;
	[tilespmem:$0x12200] =	vst v63  }
0x148: {  	s17 =	sor.u32 $0x7E00, s17;
	s31 =	sadd.s32 $0xF4280, s30  }
0x149: {  	[tilespmem:s17], [sflag:$0x1] =	stream.linear.gather [hbm4b:s31+s3], $0x400, $0x38;
	[tilespmem:$0x12200] =	vst v63  }
0x14a: {  	_ = 	snop  }
.LBB2_7:
0x14b: {  	_ =	sfence.sel $0x180000  }
0x14c: {  	[bflag:$0x0] =	sbarrier.arrive $0xFFFF  }
0x14d: {  	p0 =	sne.s32 s2, $0x0;
	_ =	strace $0x90000047  }
0x14e: {  	s0 =	sadd.s32 @!p0 $0x100000, s1;
	[bflag:$0x2] =	sbarrier.arrive $0xFFFF  }
0x14f: {  	[sflag:s0] =	ssyncadd.tile.s32 @!p0 $0x1;
	_ =	shalt  }
.Lfunc_end2:
_tile_overlayer_lowered:
.L_overlay_start_2:
0x150: {  	(tag) =	ssettag $0x2  }
0x151: {  	s0 =	rddreg [dreg:$0x0];
	s2 =	stileid.u32  }
0x152: {  	s1 =	rddreg [dreg:$0x1];
	p0 =	sne.s32 s2, $0x0  }
0x153: {  	s3 =	rddreg [dreg:$0x2];
	[bflag:$0x3] =	sbarrier.arrive $0xFFFF;
	s2 =	simm.s32 @!p0 $0x1C02  }
0x154: {  	[timem:s3], [sflag:s2] =	dma.local @!p0 [hbm:s0], s1  }
0x155: {  	s0 =	simm.s32 @!p0 $0x2  }
0x156: {  	_ =	swait.ge @!p0 [sflag:s0], s1  }
0x157: {  	s1 =	ssub.s32 @!p0 $0x0, s1;
	[sflag:s0] =	ssyncset.done @!p0 $0x0  }
0x158: {  	[sflag:s0] =	ssyncadd.s32 @!p0 s1  }
0x159: {  	[bflag:$0x3] =	sbarrier.arrive $0xFFFF  }
0x15a: {  	_ =	shalt  }

</sc_bundles>
